<compile_context>
chip_gen: v7x
topology: tpu7x:2x2x1
jax: 0.10.2.dev20260603
libtpu: 0.0.44.dev20260713+nightly
codegen_flags: <defaults>
</compile_context>

<pallas_src>
import functools
import jax
import jax.numpy as jnp
from jax import lax
from jax.experimental import pallas as pl
from jax.experimental.pallas import tpu as pltpu
from jax.experimental.pallas import tpu_sc as plsc

_L32 = 32
_D_PAD = 1024


def _colsum_i16(ref, n, width, unroll=8):
  def step(i, acc):
    return acc + ref[i, :]
  return lax.fori_loop(0, n, step, jnp.zeros((width,), jnp.int16),
                       unroll=unroll)


def _encode_body(x_hbm, tbl_hbm, out_hbm, x_v, tbl_v, out_v,
                 *, nc, ns, b, s, lv, dw):
  wid = lax.axis_index("s") * nc + lax.axis_index("c")

  pltpu.sync_copy(x_hbm, x_v)
  pltpu.sync_copy(tbl_hbm.at[wid], tbl_v)

  p_sum = _colsum_i16(tbl_v, s, dw)

  zero = jnp.zeros((_L32,), jnp.int16)
  nsb = s // 16
  bg = 2

  def per_group(gi, _):
    base = gi * bg * s

    def sblock(sb, accs):
      vis = []
      for k in range(bg):
        v = x_v[pl.ds(base + k * s + sb * 16, 16)]
        v = v * (255.0 / 256.0)
        v = (v + 8388608.0) - 8388608.0
        v = jnp.minimum(jnp.maximum(v, 0.0), 255.0)
        vis.append(v.astype(jnp.int32) + jnp.int32(s))
      for j in range(16):
        q = tbl_v[sb * 16 + j, :]
        accs = tuple(
            accs[k] + (tbl_v[vis[k][j], :] & q)
            for k in range(bg))
      return accs

    accs = lax.fori_loop(0, nsb, sblock, (zero,) * bg)
    for k in range(bg):
      sv = accs[k] + accs[k] - p_sum - jnp.int16(1)
      out_v[gi * bg + k, :] = jnp.where(sv > zero, jnp.int16(1),
                                        jnp.int16(-1))
    return _

  lax.fori_loop(0, b // bg, per_group, None)
  pltpu.sync_copy(out_v, out_hbm.at[wid])


def kernel(x, position_weight, value_weight):
  b = x.shape[0]
  s = x.shape[1] * x.shape[2]
  lv, d = value_weight.shape
  xf = x.reshape(b * s)
  tbl = jnp.concatenate(
      [position_weight.astype(jnp.int16),
       jnp.where(value_weight > 0, jnp.int16(-1), jnp.int16(0))], axis=0)
  tbl_p = jnp.zeros((s + lv, _D_PAD), jnp.int16).at[:, :d].set(tbl)

  mesh = plsc.VectorSubcoreMesh(core_axis_name="c", subcore_axis_name="s")
  nc, ns = mesh.num_cores, mesh.num_subcores
  nw = nc * ns
  dw = _D_PAD // nw
  tbl_c = tbl_p.reshape(s + lv, nw, dw).transpose(1, 0, 2)

  fn = pl.kernel(
      functools.partial(_encode_body, nc=nc, ns=ns, b=b, s=s, lv=lv, dw=dw),
      out_type=jax.ShapeDtypeStruct((nw, b, dw), jnp.int16),
      mesh=mesh,
      compiler_params=pltpu.CompilerParams(use_tc_tiling_on_sc=False,
                                           needs_layout_passes=False),
      scratch_types=[
          pltpu.VMEM((b * s,), jnp.float32),
          pltpu.VMEM((s + lv, dw), jnp.int16),
          pltpu.VMEM((b, dw), jnp.int16),
      ],
  )
  out = fn(xf, tbl_c)
  return out.transpose(1, 0, 2).reshape(b, _D_PAD)[:, :d].astype(jnp.float32)

# --- scband reference (transcript-rebuilt; emitter-appended) ---
"""Pipeline reference for scband-encoder-22892175687719 (READ-ONLY COPY).

The authoritative reference and input builder live on the scoring server;
editing this copy changes nothing except your own understanding.
"""

import jax, jax.numpy as jnp
import numpy as np

OUT_FEATURES = 1000
SIZE = 28
NUM_LEVELS = 256
BATCH = 64

INIT_NUM = 1045639766848499969483384057518705528530422271055899601722271709064472872913414266043433370489769964370318325427066696781119585238546478212274395161201173870951624534839269117703668042171703147198675585850563746653470238510729099645909743811793583566044545686655592848396590414423731869789424422308210
XORS_NUM = 9803744867548779847669278070814751618898247871472956409430055428568059251270880305199286379221191823226577416893829369104403081459033575930957482691925761695444256169920567064095087501457062430826807295396869630854578857458685932231320655578899751745996578191437224846368089320128310179113536579659383

class LFSR:
    def __init__(self, init, XORs):
        self.register = init
        self.XORs = XORs
    def shift(self):
        feedback = self.register[len(self.register) - 1]
        for XOR in self.XORs:
            self.register[XOR - 1] ^= feedback
        self.register = [feedback] + self.register[0:len(self.register) - 1]
        return self.register
    def generate_sequence(self, length):
        sequence = []
        init = self.register
        for i in range(length):
            reg = self.shift()
            bipolarReg = [-1 if x == 0 else x for x in reg]
            if init == reg:
                sequence.append(bipolarReg[::-1].copy())
                return sequence
            sequence.append(bipolarReg[::-1].copy())
        return sequence

def _build_position_weight():
    init = [int(b) for b in bin(INIT_NUM)[2:]]
    init.extend([0] * (OUT_FEATURES - len(init)))
    XORs = [i for i, x in enumerate(reversed(list(bin(XORS_NUM)[2:]))) if x == '1']
    lfsr = LFSR(init, XORs)
    seq = lfsr.generate_sequence(SIZE * SIZE)
    return np.array(seq, dtype=np.float32)

def _build_value_weight():
    DIMENSIONS = OUT_FEATURES
    c = int(DIMENSIONS // NUM_LEVELS)
    r = int(DIMENSIONS % NUM_LEVELS)
    levels = []
    for number in range(NUM_LEVELS):
        my_list = []
        if number == 0:
            my_list = [-1] * DIMENSIONS
        elif number == NUM_LEVELS - 1:
            my_list = [1] * DIMENSIONS
        else:
            mm = [-1] * (NUM_LEVELS - number) + [1] * number
            for i in range(c):
                my_list = mm + my_list
            if r != 0:
                my_list = mm[-r:] + my_list
        levels.append(my_list)
    return np.array(levels, dtype=np.float32)

def setup_inputs(seed: int = 0) -> dict:
    key = jax.random.key(seed)
    x = jax.random.uniform(key, (BATCH, SIZE, SIZE), dtype=jnp.float32, minval=0.0, maxval=256.0)
    position_weight = jnp.asarray(_build_position_weight())
    value_weight = jnp.asarray(_build_value_weight())
    return {"x": x, "position_weight": position_weight, "value_weight": value_weight}

def reference(x, position_weight, value_weight):
    # flatten
    flat = x.reshape(x.shape[0], -1)
    # torchhd Level embedding: value_to_index with low=0, high=256
    idx = jnp.clip(jnp.round((flat - 0.0) / 256.0 * (NUM_LEVELS - 1)), 0, NUM_LEVELS - 1).astype(jnp.int32)
    hv = jnp.take(value_weight, idx, axis=0)                      # [B, S*S, D] gather
    bound = position_weight[None, :, :] * hv                      # torchhd.bind (MAP = elementwise mul)
    s = jnp.sum(bound, axis=1)                                    # torchhd.multiset (sum over hv dim -2)
    return jnp.where(s > 0, 1.0, -1.0).astype(jnp.float32)

if __name__ == "__main__":
    import jax
    _d = setup_inputs()
    print(jax.jit(kernel)(*tuple(_d.values())))

</pallas_src>

<mosaic_0001>
#map = affine_map<(d0, d1) -> (0)>
#map1 = affine_map<(d0, d1) -> (0, 0, 0)>
module attributes {stable_mosaic.version = 14 : i64} {
  func.func @_encode_body(%arg0: i32, %arg1: i32, %arg2: memref<50176xf32, #tpu.memory_space<hbm>>, %arg3: memref<32x1040x32xi16, #tpu.memory_space<hbm>>, %arg4: memref<32x64x32xi16, #tpu.memory_space<hbm>>, %arg5: memref<50176xf32, #tpu.memory_space<vmem>>, %arg6: memref<1040x32xi16, #tpu.memory_space<vmem>>, %arg7: memref<64x32xi16, #tpu.memory_space<vmem>>) attributes {dimension_semantics = [#tpu.dimension_semantics<core_parallel>, #tpu.dimension_semantics<subcore_parallel>], iteration_bounds = array<i64: 2, 16>, scalar_prefetch = 0 : i64, scratch_operands = 3 : i64, tpu.core_type = #tpu.core_type<sc_vector_subcore>, window_params = [{transform_indices = #map}, {transform_indices = #map1}, {transform_indices = #map1}]} {
    %mul3A = arith.constant 2 : i32
    %mul3A_0 = arith.muli %arg1, %mul3A : i32
    %add3A = arith.addi %mul3A_0, %arg0 : i32
    "tpu.region"() ({
      %run_scoped3A = tpu.sem_alloc : memref<!tpu.dma_semaphore, #tpu.memory_space<semaphore_mem>>
      tpu.enqueue_dma source(%arg2 : memref<50176xf32, #tpu.memory_space<hbm>>) target(%arg5 : memref<50176xf32, #tpu.memory_space<vmem>>) target_semaphore(%run_scoped3A : memref<!tpu.dma_semaphore, #tpu.memory_space<semaphore_mem>>)
      tpu.wait_dma2 semaphore(%run_scoped3A : memref<!tpu.dma_semaphore, #tpu.memory_space<semaphore_mem>>) src(%arg2 : memref<50176xf32, #tpu.memory_space<hbm>>) dst(%arg5 : memref<50176xf32, #tpu.memory_space<vmem>>)
      tpu.yield
    }) : () -> ()
    "tpu.region"() ({
      %run_scoped3A = tpu.sem_alloc : memref<!tpu.dma_semaphore, #tpu.memory_space<semaphore_mem>>
      %dma_start3A = arith.constant 0 : i32
      %dma_start3A_14 = arith.constant 0 : i32
      %dma_start3A_15 = tpu.memref_slice %arg3[%add3A, %dma_start3A, %dma_start3A_14] : memref<32x1040x32xi16, #tpu.memory_space<hbm>> -> memref<1x1040x32xi16, #tpu.memory_space<hbm>>
      %dma_start3A_16 = tpu.memref_squeeze %dma_start3A_15 : memref<1x1040x32xi16, #tpu.memory_space<hbm>> -> memref<1040x32xi16, #tpu.memory_space<hbm>>
      %dma_start3A_17 = arith.constant 0 : i32
      %dma_start3A_18 = arith.constant 0 : i32
      %dma_start3A_19 = tpu.memref_slice %arg3[%add3A, %dma_start3A_17, %dma_start3A_18] : memref<32x1040x32xi16, #tpu.memory_space<hbm>> -> memref<1x1040x32xi16, #tpu.memory_space<hbm>>
      %dma_start3A_20 = tpu.memref_squeeze %dma_start3A_19 : memref<1x1040x32xi16, #tpu.memory_space<hbm>> -> memref<1040x32xi16, #tpu.memory_space<hbm>>
      tpu.enqueue_dma source(%dma_start3A_20 : memref<1040x32xi16, #tpu.memory_space<hbm>>) target(%arg6 : memref<1040x32xi16, #tpu.memory_space<vmem>>) target_semaphore(%run_scoped3A : memref<!tpu.dma_semaphore, #tpu.memory_space<semaphore_mem>>)
      %dma_wait3A = arith.constant 0 : i32
      %dma_wait3A_21 = arith.constant 0 : i32
      %dma_wait3A_22 = tpu.memref_slice %arg3[%add3A, %dma_wait3A, %dma_wait3A_21] : memref<32x1040x32xi16, #tpu.memory_space<hbm>> -> memref<1x1040x32xi16, #tpu.memory_space<hbm>>
      %dma_wait3A_23 = tpu.memref_squeeze %dma_wait3A_22 : memref<1x1040x32xi16, #tpu.memory_space<hbm>> -> memref<1040x32xi16, #tpu.memory_space<hbm>>
      %dma_wait3A_24 = arith.constant 0 : i32
      %dma_wait3A_25 = arith.constant 0 : i32
      %dma_wait3A_26 = tpu.memref_slice %arg3[%add3A, %dma_wait3A_24, %dma_wait3A_25] : memref<32x1040x32xi16, #tpu.memory_space<hbm>> -> memref<1x1040x32xi16, #tpu.memory_space<hbm>>
      %dma_wait3A_27 = tpu.memref_squeeze %dma_wait3A_26 : memref<1x1040x32xi16, #tpu.memory_space<hbm>> -> memref<1040x32xi16, #tpu.memory_space<hbm>>
      tpu.wait_dma2 semaphore(%run_scoped3A : memref<!tpu.dma_semaphore, #tpu.memory_space<semaphore_mem>>) src(%dma_wait3A_27 : memref<1040x32xi16, #tpu.memory_space<hbm>>) dst(%arg6 : memref<1040x32xi16, #tpu.memory_space<vmem>>)
      tpu.yield
    }) : () -> ()
    %broadcast_in_dim3A = arith.constant 0 : i16
    %broadcast_in_dim3A_1 = vector.broadcast %broadcast_in_dim3A : i16 to vector<32xi16>
    %scan3A = arith.constant 0 : i32
    %scan3A_2 = arith.constant 784 : i32
    %scan3A_3 = arith.addi %scan3A, %scan3A_2 : i32
    %scan3A_4 = arith.constant 8 : i32
    %scan3A_5 = scf.for %scan3A_14 = %scan3A to %scan3A_3 step %scan3A_4 iter_args(%scan3A_15 = %broadcast_in_dim3A_1) -> (vector<32xi16>)  : i32 {
      %get3A = arith.index_cast %scan3A_14 : i32 to index
      %get3A_16 = arith.constant 0 : index
      %get3A_17 = tpu.vector_load %arg6[%get3A, %get3A_16] {strides = array<i32>} : memref<1040x32xi16, #tpu.memory_space<vmem>>, vector<32xi16>,
      %add3A_18 = arith.addi %scan3A_15, %get3A_17 : vector<32xi16>
      %scan3A_19 = arith.constant 1 : i32
      %scan3A_20 = arith.addi %scan3A_14, %scan3A_19 : i32
      %get3A_21 = arith.index_cast %scan3A_20 : i32 to index
      %get3A_22 = arith.constant 0 : index
      %get3A_23 = tpu.vector_load %arg6[%get3A_21, %get3A_22] {strides = array<i32>} : memref<1040x32xi16, #tpu.memory_space<vmem>>, vector<32xi16>,
      %add3A_24 = arith.addi %add3A_18, %get3A_23 : vector<32xi16>
      %scan3A_25 = arith.constant 2 : i32
      %scan3A_26 = arith.addi %scan3A_14, %scan3A_25 : i32
      %get3A_27 = arith.index_cast %scan3A_26 : i32 to index
      %get3A_28 = arith.constant 0 : index
      %get3A_29 = tpu.vector_load %arg6[%get3A_27, %get3A_28] {strides = array<i32>} : memref<1040x32xi16, #tpu.memory_space<vmem>>, vector<32xi16>,
      %add3A_30 = arith.addi %add3A_24, %get3A_29 : vector<32xi16>
      %scan3A_31 = arith.constant 3 : i32
      %scan3A_32 = arith.addi %scan3A_14, %scan3A_31 : i32
      %get3A_33 = arith.index_cast %scan3A_32 : i32 to index
      %get3A_34 = arith.constant 0 : index
      %get3A_35 = tpu.vector_load %arg6[%get3A_33, %get3A_34] {strides = array<i32>} : memref<1040x32xi16, #tpu.memory_space<vmem>>, vector<32xi16>,
      %add3A_36 = arith.addi %add3A_30, %get3A_35 : vector<32xi16>
      %scan3A_37 = arith.constant 4 : i32
      %scan3A_38 = arith.addi %scan3A_14, %scan3A_37 : i32
      %get3A_39 = arith.index_cast %scan3A_38 : i32 to index
      %get3A_40 = arith.constant 0 : index
      %get3A_41 = tpu.vector_load %arg6[%get3A_39, %get3A_40] {strides = array<i32>} : memref<1040x32xi16, #tpu.memory_space<vmem>>, vector<32xi16>,
      %add3A_42 = arith.addi %add3A_36, %get3A_41 : vector<32xi16>
      %scan3A_43 = arith.constant 5 : i32
      %scan3A_44 = arith.addi %scan3A_14, %scan3A_43 : i32
      %get3A_45 = arith.index_cast %scan3A_44 : i32 to index
      %get3A_46 = arith.constant 0 : index
      %get3A_47 = tpu.vector_load %arg6[%get3A_45, %get3A_46] {strides = array<i32>} : memref<1040x32xi16, #tpu.memory_space<vmem>>, vector<32xi16>,
      %add3A_48 = arith.addi %add3A_42, %get3A_47 : vector<32xi16>
      %scan3A_49 = arith.constant 6 : i32
      %scan3A_50 = arith.addi %scan3A_14, %scan3A_49 : i32
      %get3A_51 = arith.index_cast %scan3A_50 : i32 to index
      %get3A_52 = arith.constant 0 : index
      %get3A_53 = tpu.vector_load %arg6[%get3A_51, %get3A_52] {strides = array<i32>} : memref<1040x32xi16, #tpu.memory_space<vmem>>, vector<32xi16>,
      %add3A_54 = arith.addi %add3A_48, %get3A_53 : vector<32xi16>
      %scan3A_55 = arith.constant 7 : i32
      %scan3A_56 = arith.addi %scan3A_14, %scan3A_55 : i32
      %get3A_57 = arith.index_cast %scan3A_56 : i32 to index
      %get3A_58 = arith.constant 0 : index
      %get3A_59 = tpu.vector_load %arg6[%get3A_57, %get3A_58] {strides = array<i32>} : memref<1040x32xi16, #tpu.memory_space<vmem>>, vector<32xi16>,
      %add3A_60 = arith.addi %add3A_54, %get3A_59 : vector<32xi16>
      scf.yield %add3A_60 : vector<32xi16>
    }
    %scan3A_6 = arith.constant 784 : i32
    %broadcast_in_dim3A_7 = arith.constant 0 : i16
    %broadcast_in_dim3A_8 = vector.broadcast %broadcast_in_dim3A_7 : i16 to vector<32xi16>
    %scan3A_9 = arith.constant 0 : i32
    %scan3A_10 = arith.constant 32 : i32
    %scan3A_11 = arith.addi %scan3A_9, %scan3A_10 : i32
    %scan3A_12 = arith.constant 1 : i32
    scf.for %scan3A_14 = %scan3A_9 to %scan3A_11 step %scan3A_12  : i32 {
      %mul3A_15 = arith.constant 2 : i32
      %mul3A_16 = arith.muli %scan3A_14, %mul3A_15 : i32
      %mul3A_17 = arith.constant 784 : i32
      %mul3A_18 = arith.muli %mul3A_16, %mul3A_17 : i32
      %scan3A_19 = arith.constant 0 : i32
      %scan3A_20 = arith.constant 49 : i32
      %scan3A_21 = arith.addi %scan3A_19, %scan3A_20 : i32
      %scan3A_22 = arith.constant 1 : i32
      %scan3A_23:2 = scf.for %scan3A_56 = %scan3A_19 to %scan3A_21 step %scan3A_22 iter_args(%scan3A_57 = %broadcast_in_dim3A_8, %scan3A_58 = %broadcast_in_dim3A_8) -> (vector<32xi16>, vector<32xi16>)  : i32 {
        %add3A_59 = arith.constant 0 : i32
        %add3A_60 = arith.addi %mul3A_18, %add3A_59 : i32
        %mul3A_61 = arith.constant 16 : i32
        %mul3A_62 = arith.muli %scan3A_56, %mul3A_61 : i32
        %add3A_63 = arith.addi %add3A_60, %mul3A_62 : i32
        %get3A = arith.index_cast %add3A_63 : i32 to index
        %get3A_64 = tpu.vector_load %arg5[%get3A] {strides = array<i32>} : memref<50176xf32, #tpu.memory_space<vmem>>, vector<16xf32>,
        %mul3A_65 = arith.constant 0.99609375 : f32
        %mul3A_66 = vector.broadcast %mul3A_65 : f32 to vector<16xf32>
        %mul3A_67 = arith.mulf %get3A_64, %mul3A_66 : vector<16xf32>
        %add3A_68 = arith.constant 0x4B000000 : f32
        %add3A_69 = vector.broadcast %add3A_68 : f32 to vector<16xf32>
        %add3A_70 = arith.addf %mul3A_67, %add3A_69 : vector<16xf32>
        %sub3A_71 = arith.constant 0x4B000000 : f32
        %sub3A_72 = vector.broadcast %sub3A_71 : f32 to vector<16xf32>
        %sub3A_73 = arith.subf %add3A_70, %sub3A_72 : vector<16xf32>
        %max3A = arith.constant 0.000000e+00 : f32
        %max3A_74 = vector.broadcast %max3A : f32 to vector<16xf32>
        %max3A_75 = arith.maximumf %sub3A_73, %max3A_74 : vector<16xf32>
        %min3A = arith.constant 2.550000e+02 : f32
        %min3A_76 = vector.broadcast %min3A : f32 to vector<16xf32>
        %min3A_77 = arith.minimumf %max3A_75, %min3A_76 : vector<16xf32>
        %convert_element_type3A = arith.fptosi %min3A_77 : vector<16xf32> to vector<16xi32>
        %add3A_78 = arith.constant 784 : i32
        %add3A_79 = vector.broadcast %add3A_78 : i32 to vector<16xi32>
        %add3A_80 = arith.addi %convert_element_type3A, %add3A_79 : vector<16xi32>
        %add3A_81 = arith.constant 784 : i32
        %add3A_82 = arith.addi %mul3A_18, %add3A_81 : i32
        %mul3A_83 = arith.constant 16 : i32
        %mul3A_84 = arith.muli %scan3A_56, %mul3A_83 : i32
        %add3A_85 = arith.addi %add3A_82, %mul3A_84 : i32
        %get3A_86 = arith.index_cast %add3A_85 : i32 to index
        %get3A_87 = tpu.vector_load %arg5[%get3A_86] {strides = array<i32>} : memref<50176xf32, #tpu.memory_space<vmem>>, vector<16xf32>,
        %mul3A_88 = arith.constant 0.99609375 : f32
        %mul3A_89 = vector.broadcast %mul3A_88 : f32 to vector<16xf32>
        %mul3A_90 = arith.mulf %get3A_87, %mul3A_89 : vector<16xf32>
        %add3A_91 = arith.constant 0x4B000000 : f32
        %add3A_92 = vector.broadcast %add3A_91 : f32 to vector<16xf32>
        %add3A_93 = arith.addf %mul3A_90, %add3A_92 : vector<16xf32>
        %sub3A_94 = arith.constant 0x4B000000 : f32
        %sub3A_95 = vector.broadcast %sub3A_94 : f32 to vector<16xf32>
        %sub3A_96 = arith.subf %add3A_93, %sub3A_95 : vector<16xf32>
        %max3A_97 = arith.constant 0.000000e+00 : f32
        %max3A_98 = vector.broadcast %max3A_97 : f32 to vector<16xf32>
        %max3A_99 = arith.maximumf %sub3A_96, %max3A_98 : vector<16xf32>
        %min3A_100 = arith.constant 2.550000e+02 : f32
        %min3A_101 = vector.broadcast %min3A_100 : f32 to vector<16xf32>
        %min3A_102 = arith.minimumf %max3A_99, %min3A_101 : vector<16xf32>
        %convert_element_type3A_103 = arith.fptosi %min3A_102 : vector<16xf32> to vector<16xi32>
        %add3A_104 = arith.constant 784 : i32
        %add3A_105 = vector.broadcast %add3A_104 : i32 to vector<16xi32>
        %add3A_106 = arith.addi %convert_element_type3A_103, %add3A_105 : vector<16xi32>
        %mul3A_107 = arith.constant 16 : i32
        %mul3A_108 = arith.muli %scan3A_56, %mul3A_107 : i32
        %add3A_109 = arith.constant 0 : i32
        %add3A_110 = arith.addi %mul3A_108, %add3A_109 : i32
        %get3A_111 = arith.index_cast %add3A_110 : i32 to index
        %get3A_112 = arith.constant 0 : index
        %get3A_113 = tpu.vector_load %arg6[%get3A_111, %get3A_112] {strides = array<i32>} : memref<1040x32xi16, #tpu.memory_space<vmem>>, vector<32xi16>,
        %slice3A = vector.extract_strided_slice %add3A_80 {offsets = [0], sizes = [1], strides = [1]} : vector<16xi32> to vector<1xi32>
        %squeeze3A = vector.extract %slice3A[0] : i32 from vector<1xi32>
        %get3A_114 = arith.index_cast %squeeze3A : i32 to index
        %get3A_115 = arith.constant 0 : index
        %get3A_116 = tpu.vector_load %arg6[%get3A_114, %get3A_115] {strides = array<i32>} : memref<1040x32xi16, #tpu.memory_space<vmem>>, vector<32xi16>,
        %and3A = arith.andi %get3A_116, %get3A_113 : vector<32xi16>
        %add3A_117 = arith.addi %scan3A_57, %and3A : vector<32xi16>
        %slice3A_118 = vector.extract_strided_slice %add3A_106 {offsets = [0], sizes = [1], strides = [1]} : vector<16xi32> to vector<1xi32>
        %squeeze3A_119 = vector.extract %slice3A_118[0] : i32 from vector<1xi32>
        %get3A_120 = arith.index_cast %squeeze3A_119 : i32 to index
        %get3A_121 = arith.constant 0 : index
        %get3A_122 = tpu.vector_load %arg6[%get3A_120, %get3A_121] {strides = array<i32>} : memref<1040x32xi16, #tpu.memory_space<vmem>>, vector<32xi16>,
        %and3A_123 = arith.andi %get3A_122, %get3A_113 : vector<32xi16>
        %add3A_124 = arith.addi %scan3A_58, %and3A_123 : vector<32xi16>
        %mul3A_125 = arith.constant 16 : i32
        %mul3A_126 = arith.muli %scan3A_56, %mul3A_125 : i32
        %add3A_127 = arith.constant 1 : i32
        %add3A_128 = arith.addi %mul3A_126, %add3A_127 : i32
        %get3A_129 = arith.index_cast %add3A_128 : i32 to index
        %get3A_130 = arith.constant 0 : index
        %get3A_131 = tpu.vector_load %arg6[%get3A_129, %get3A_130] {strides = array<i32>} : memref<1040x32xi16, #tpu.memory_space<vmem>>, vector<32xi16>,
        %slice3A_132 = vector.extract_strided_slice %add3A_80 {offsets = [1], sizes = [1], strides = [1]} : vector<16xi32> to vector<1xi32>
        %squeeze3A_133 = vector.extract %slice3A_132[0] : i32 from vector<1xi32>
        %get3A_134 = arith.index_cast %squeeze3A_133 : i32 to index
        %get3A_135 = arith.constant 0 : index
        %get3A_136 = tpu.vector_load %arg6[%get3A_134, %get3A_135] {strides = array<i32>} : memref<1040x32xi16, #tpu.memory_space<vmem>>, vector<32xi16>,
        %and3A_137 = arith.andi %get3A_136, %get3A_131 : vector<32xi16>
        %add3A_138 = arith.addi %add3A_117, %and3A_137 : vector<32xi16>
        %slice3A_139 = vector.extract_strided_slice %add3A_106 {offsets = [1], sizes = [1], strides = [1]} : vector<16xi32> to vector<1xi32>
        %squeeze3A_140 = vector.extract %slice3A_139[0] : i32 from vector<1xi32>
        %get3A_141 = arith.index_cast %squeeze3A_140 : i32 to index
        %get3A_142 = arith.constant 0 : index
        %get3A_143 = tpu.vector_load %arg6[%get3A_141, %get3A_142] {strides = array<i32>} : memref<1040x32xi16, #tpu.memory_space<vmem>>, vector<32xi16>,
        %and3A_144 = arith.andi %get3A_143, %get3A_131 : vector<32xi16>
        %add3A_145 = arith.addi %add3A_124, %and3A_144 : vector<32xi16>
        %mul3A_146 = arith.constant 16 : i32
        %mul3A_147 = arith.muli %scan3A_56, %mul3A_146 : i32
        %add3A_148 = arith.constant 2 : i32
        %add3A_149 = arith.addi %mul3A_147, %add3A_148 : i32
        %get3A_150 = arith.index_cast %add3A_149 : i32 to index
        %get3A_151 = arith.constant 0 : index
        %get3A_152 = tpu.vector_load %arg6[%get3A_150, %get3A_151] {strides = array<i32>} : memref<1040x32xi16, #tpu.memory_space<vmem>>, vector<32xi16>,
        %slice3A_153 = vector.extract_strided_slice %add3A_80 {offsets = [2], sizes = [1], strides = [1]} : vector<16xi32> to vector<1xi32>
        %squeeze3A_154 = vector.extract %slice3A_153[0] : i32 from vector<1xi32>
        %get3A_155 = arith.index_cast %squeeze3A_154 : i32 to index
        %get3A_156 = arith.constant 0 : index
        %get3A_157 = tpu.vector_load %arg6[%get3A_155, %get3A_156] {strides = array<i32>} : memref<1040x32xi16, #tpu.memory_space<vmem>>, vector<32xi16>,
        %and3A_158 = arith.andi %get3A_157, %get3A_152 : vector<32xi16>
        %add3A_159 = arith.addi %add3A_138, %and3A_158 : vector<32xi16>
        %slice3A_160 = vector.extract_strided_slice %add3A_106 {offsets = [2], sizes = [1], strides = [1]} : vector<16xi32> to vector<1xi32>
        %squeeze3A_161 = vector.extract %slice3A_160[0] : i32 from vector<1xi32>
        %get3A_162 = arith.index_cast %squeeze3A_161 : i32 to index
        %get3A_163 = arith.constant 0 : index
        %get3A_164 = tpu.vector_load %arg6[%get3A_162, %get3A_163] {strides = array<i32>} : memref<1040x32xi16, #tpu.memory_space<vmem>>, vector<32xi16>,
        %and3A_165 = arith.andi %get3A_164, %get3A_152 : vector<32xi16>
        %add3A_166 = arith.addi %add3A_145, %and3A_165 : vector<32xi16>
        %mul3A_167 = arith.constant 16 : i32
        %mul3A_168 = arith.muli %scan3A_56, %mul3A_167 : i32
        %add3A_169 = arith.constant 3 : i32
        %add3A_170 = arith.addi %mul3A_168, %add3A_169 : i32
        %get3A_171 = arith.index_cast %add3A_170 : i32 to index
        %get3A_172 = arith.constant 0 : index
        %get3A_173 = tpu.vector_load %arg6[%get3A_171, %get3A_172] {strides = array<i32>} : memref<1040x32xi16, #tpu.memory_space<vmem>>, vector<32xi16>,
        %slice3A_174 = vector.extract_strided_slice %add3A_80 {offsets = [3], sizes = [1], strides = [1]} : vector<16xi32> to vector<1xi32>
        %squeeze3A_175 = vector.extract %slice3A_174[0] : i32 from vector<1xi32>
        %get3A_176 = arith.index_cast %squeeze3A_175 : i32 to index
        %get3A_177 = arith.constant 0 : index
        %get3A_178 = tpu.vector_load %arg6[%get3A_176, %get3A_177] {strides = array<i32>} : memref<1040x32xi16, #tpu.memory_space<vmem>>, vector<32xi16>,
        %and3A_179 = arith.andi %get3A_178, %get3A_173 : vector<32xi16>
        %add3A_180 = arith.addi %add3A_159, %and3A_179 : vector<32xi16>
        %slice3A_181 = vector.extract_strided_slice %add3A_106 {offsets = [3], sizes = [1], strides = [1]} : vector<16xi32> to vector<1xi32>
        %squeeze3A_182 = vector.extract %slice3A_181[0] : i32 from vector<1xi32>
        %get3A_183 = arith.index_cast %squeeze3A_182 : i32 to index
        %get3A_184 = arith.constant 0 : index
        %get3A_185 = tpu.vector_load %arg6[%get3A_183, %get3A_184] {strides = array<i32>} : memref<1040x32xi16, #tpu.memory_space<vmem>>, vector<32xi16>,
        %and3A_186 = arith.andi %get3A_185, %get3A_173 : vector<32xi16>
        %add3A_187 = arith.addi %add3A_166, %and3A_186 : vector<32xi16>
        %mul3A_188 = arith.constant 16 : i32
        %mul3A_189 = arith.muli %scan3A_56, %mul3A_188 : i32
        %add3A_190 = arith.constant 4 : i32
        %add3A_191 = arith.addi %mul3A_189, %add3A_190 : i32
        %get3A_192 = arith.index_cast %add3A_191 : i32 to index
        %get3A_193 = arith.constant 0 : index
        %get3A_194 = tpu.vector_load %arg6[%get3A_192, %get3A_193] {strides = array<i32>} : memref<1040x32xi16, #tpu.memory_space<vmem>>, vector<32xi16>,
        %slice3A_195 = vector.extract_strided_slice %add3A_80 {offsets = [4], sizes = [1], strides = [1]} : vector<16xi32> to vector<1xi32>
        %squeeze3A_196 = vector.extract %slice3A_195[0] : i32 from vector<1xi32>
        %get3A_197 = arith.index_cast %squeeze3A_196 : i32 to index
        %get3A_198 = arith.constant 0 : index
        %get3A_199 = tpu.vector_load %arg6[%get3A_197, %get3A_198] {strides = array<i32>} : memref<1040x32xi16, #tpu.memory_space<vmem>>, vector<32xi16>,
        %and3A_200 = arith.andi %get3A_199, %get3A_194 : vector<32xi16>
        %add3A_201 = arith.addi %add3A_180, %and3A_200 : vector<32xi16>
        %slice3A_202 = vector.extract_strided_slice %add3A_106 {offsets = [4], sizes = [1], strides = [1]} : vector<16xi32> to vector<1xi32>
        %squeeze3A_203 = vector.extract %slice3A_202[0] : i32 from vector<1xi32>
        %get3A_204 = arith.index_cast %squeeze3A_203 : i32 to index
        %get3A_205 = arith.constant 0 : index
        %get3A_206 = tpu.vector_load %arg6[%get3A_204, %get3A_205] {strides = array<i32>} : memref<1040x32xi16, #tpu.memory_space<vmem>>, vector<32xi16>,
        %and3A_207 = arith.andi %get3A_206, %get3A_194 : vector<32xi16>
        %add3A_208 = arith.addi %add3A_187, %and3A_207 : vector<32xi16>
        %mul3A_209 = arith.constant 16 : i32
        %mul3A_210 = arith.muli %scan3A_56, %mul3A_209 : i32
        %add3A_211 = arith.constant 5 : i32
        %add3A_212 = arith.addi %mul3A_210, %add3A_211 : i32
        %get3A_213 = arith.index_cast %add3A_212 : i32 to index
        %get3A_214 = arith.constant 0 : index
        %get3A_215 = tpu.vector_load %arg6[%get3A_213, %get3A_214] {strides = array<i32>} : memref<1040x32xi16, #tpu.memory_space<vmem>>, vector<32xi16>,
        %slice3A_216 = vector.extract_strided_slice %add3A_80 {offsets = [5], sizes = [1], strides = [1]} : vector<16xi32> to vector<1xi32>
        %squeeze3A_217 = vector.extract %slice3A_216[0] : i32 from vector<1xi32>
        %get3A_218 = arith.index_cast %squeeze3A_217 : i32 to index
        %get3A_219 = arith.constant 0 : index
        %get3A_220 = tpu.vector_load %arg6[%get3A_218, %get3A_219] {strides = array<i32>} : memref<1040x32xi16, #tpu.memory_space<vmem>>, vector<32xi16>,
        %and3A_221 = arith.andi %get3A_220, %get3A_215 : vector<32xi16>
        %add3A_222 = arith.addi %add3A_201, %and3A_221 : vector<32xi16>
        %slice3A_223 = vector.extract_strided_slice %add3A_106 {offsets = [5], sizes = [1], strides = [1]} : vector<16xi32> to vector<1xi32>
        %squeeze3A_224 = vector.extract %slice3A_223[0] : i32 from vector<1xi32>
        %get3A_225 = arith.index_cast %squeeze3A_224 : i32 to index
        %get3A_226 = arith.constant 0 : index
        %get3A_227 = tpu.vector_load %arg6[%get3A_225, %get3A_226] {strides = array<i32>} : memref<1040x32xi16, #tpu.memory_space<vmem>>, vector<32xi16>,
        %and3A_228 = arith.andi %get3A_227, %get3A_215 : vector<32xi16>
        %add3A_229 = arith.addi %add3A_208, %and3A_228 : vector<32xi16>
        %mul3A_230 = arith.constant 16 : i32
        %mul3A_231 = arith.muli %scan3A_56, %mul3A_230 : i32
        %add3A_232 = arith.constant 6 : i32
        %add3A_233 = arith.addi %mul3A_231, %add3A_232 : i32
        %get3A_234 = arith.index_cast %add3A_233 : i32 to index
        %get3A_235 = arith.constant 0 : index
        %get3A_236 = tpu.vector_load %arg6[%get3A_234, %get3A_235] {strides = array<i32>} : memref<1040x32xi16, #tpu.memory_space<vmem>>, vector<32xi16>,
        %slice3A_237 = vector.extract_strided_slice %add3A_80 {offsets = [6], sizes = [1], strides = [1]} : vector<16xi32> to vector<1xi32>
        %squeeze3A_238 = vector.extract %slice3A_237[0] : i32 from vector<1xi32>
        %get3A_239 = arith.index_cast %squeeze3A_238 : i32 to index
        %get3A_240 = arith.constant 0 : index
        %get3A_241 = tpu.vector_load %arg6[%get3A_239, %get3A_240] {strides = array<i32>} : memref<1040x32xi16, #tpu.memory_space<vmem>>, vector<32xi16>,
        %and3A_242 = arith.andi %get3A_241, %get3A_236 : vector<32xi16>
        %add3A_243 = arith.addi %add3A_222, %and3A_242 : vector<32xi16>
        %slice3A_244 = vector.extract_strided_slice %add3A_106 {offsets = [6], sizes = [1], strides = [1]} : vector<16xi32> to vector<1xi32>
        %squeeze3A_245 = vector.extract %slice3A_244[0] : i32 from vector<1xi32>
        %get3A_246 = arith.index_cast %squeeze3A_245 : i32 to index
        %get3A_247 = arith.constant 0 : index
        %get3A_248 = tpu.vector_load %arg6[%get3A_246, %get3A_247] {strides = array<i32>} : memref<1040x32xi16, #tpu.memory_space<vmem>>, vector<32xi16>,
        %and3A_249 = arith.andi %get3A_248, %get3A_236 : vector<32xi16>
        %add3A_250 = arith.addi %add3A_229, %and3A_249 : vector<32xi16>
        %mul3A_251 = arith.constant 16 : i32
        %mul3A_252 = arith.muli %scan3A_56, %mul3A_251 : i32
        %add3A_253 = arith.constant 7 : i32
        %add3A_254 = arith.addi %mul3A_252, %add3A_253 : i32
        %get3A_255 = arith.index_cast %add3A_254 : i32 to index
        %get3A_256 = arith.constant 0 : index
        %get3A_257 = tpu.vector_load %arg6[%get3A_255, %get3A_256] {strides = array<i32>} : memref<1040x32xi16, #tpu.memory_space<vmem>>, vector<32xi16>,
        %slice3A_258 = vector.extract_strided_slice %add3A_80 {offsets = [7], sizes = [1], strides = [1]} : vector<16xi32> to vector<1xi32>
        %squeeze3A_259 = vector.extract %slice3A_258[0] : i32 from vector<1xi32>
        %get3A_260 = arith.index_cast %squeeze3A_259 : i32 to index
        %get3A_261 = arith.constant 0 : index
        %get3A_262 = tpu.vector_load %arg6[%get3A_260, %get3A_261] {strides = array<i32>} : memref<1040x32xi16, #tpu.memory_space<vmem>>, vector<32xi16>,
        %and3A_263 = arith.andi %get3A_262, %get3A_257 : vector<32xi16>
        %add3A_264 = arith.addi %add3A_243, %and3A_263 : vector<32xi16>
        %slice3A_265 = vector.extract_strided_slice %add3A_106 {offsets = [7], sizes = [1], strides = [1]} : vector<16xi32> to vector<1xi32>
        %squeeze3A_266 = vector.extract %slice3A_265[0] : i32 from vector<1xi32>
        %get3A_267 = arith.index_cast %squeeze3A_266 : i32 to index
        %get3A_268 = arith.constant 0 : index
        %get3A_269 = tpu.vector_load %arg6[%get3A_267, %get3A_268] {strides = array<i32>} : memref<1040x32xi16, #tpu.memory_space<vmem>>, vector<32xi16>,
        %and3A_270 = arith.andi %get3A_269, %get3A_257 : vector<32xi16>
        %add3A_271 = arith.addi %add3A_250, %and3A_270 : vector<32xi16>
        %mul3A_272 = arith.constant 16 : i32
        %mul3A_273 = arith.muli %scan3A_56, %mul3A_272 : i32
        %add3A_274 = arith.constant 8 : i32
        %add3A_275 = arith.addi %mul3A_273, %add3A_274 : i32
        %get3A_276 = arith.index_cast %add3A_275 : i32 to index
        %get3A_277 = arith.constant 0 : index
        %get3A_278 = tpu.vector_load %arg6[%get3A_276, %get3A_277] {strides = array<i32>} : memref<1040x32xi16, #tpu.memory_space<vmem>>, vector<32xi16>,
        %slice3A_279 = vector.extract_strided_slice %add3A_80 {offsets = [8], sizes = [1], strides = [1]} : vector<16xi32> to vector<1xi32>
        %squeeze3A_280 = vector.extract %slice3A_279[0] : i32 from vector<1xi32>
        %get3A_281 = arith.index_cast %squeeze3A_280 : i32 to index
        %get3A_282 = arith.constant 0 : index
        %get3A_283 = tpu.vector_load %arg6[%get3A_281, %get3A_282] {strides = array<i32>} : memref<1040x32xi16, #tpu.memory_space<vmem>>, vector<32xi16>,
        %and3A_284 = arith.andi %get3A_283, %get3A_278 : vector<32xi16>
        %add3A_285 = arith.addi %add3A_264, %and3A_284 : vector<32xi16>
        %slice3A_286 = vector.extract_strided_slice %add3A_106 {offsets = [8], sizes = [1], strides = [1]} : vector<16xi32> to vector<1xi32>
        %squeeze3A_287 = vector.extract %slice3A_286[0] : i32 from vector<1xi32>
        %get3A_288 = arith.index_cast %squeeze3A_287 : i32 to index
        %get3A_289 = arith.constant 0 : index
        %get3A_290 = tpu.vector_load %arg6[%get3A_288, %get3A_289] {strides = array<i32>} : memref<1040x32xi16, #tpu.memory_space<vmem>>, vector<32xi16>,
        %and3A_291 = arith.andi %get3A_290, %get3A_278 : vector<32xi16>
        %add3A_292 = arith.addi %add3A_271, %and3A_291 : vector<32xi16>
        %mul3A_293 = arith.constant 16 : i32
        %mul3A_294 = arith.muli %scan3A_56, %mul3A_293 : i32
        %add3A_295 = arith.constant 9 : i32
        %add3A_296 = arith.addi %mul3A_294, %add3A_295 : i32
        %get3A_297 = arith.index_cast %add3A_296 : i32 to index
        %get3A_298 = arith.constant 0 : index
        %get3A_299 = tpu.vector_load %arg6[%get3A_297, %get3A_298] {strides = array<i32>} : memref<1040x32xi16, #tpu.memory_space<vmem>>, vector<32xi16>,
        %slice3A_300 = vector.extract_strided_slice %add3A_80 {offsets = [9], sizes = [1], strides = [1]} : vector<16xi32> to vector<1xi32>
        %squeeze3A_301 = vector.extract %slice3A_300[0] : i32 from vector<1xi32>
        %get3A_302 = arith.index_cast %squeeze3A_301 : i32 to index
        %get3A_303 = arith.constant 0 : index
        %get3A_304 = tpu.vector_load %arg6[%get3A_302, %get3A_303] {strides = array<i32>} : memref<1040x32xi16, #tpu.memory_space<vmem>>, vector<32xi16>,
        %and3A_305 = arith.andi %get3A_304, %get3A_299 : vector<32xi16>
        %add3A_306 = arith.addi %add3A_285, %and3A_305 : vector<32xi16>
        %slice3A_307 = vector.extract_strided_slice %add3A_106 {offsets = [9], sizes = [1], strides = [1]} : vector<16xi32> to vector<1xi32>
        %squeeze3A_308 = vector.extract %slice3A_307[0] : i32 from vector<1xi32>
        %get3A_309 = arith.index_cast %squeeze3A_308 : i32 to index
        %get3A_310 = arith.constant 0 : index
        %get3A_311 = tpu.vector_load %arg6[%get3A_309, %get3A_310] {strides = array<i32>} : memref<1040x32xi16, #tpu.memory_space<vmem>>, vector<32xi16>,
        %and3A_312 = arith.andi %get3A_311, %get3A_299 : vector<32xi16>
        %add3A_313 = arith.addi %add3A_292, %and3A_312 : vector<32xi16>
        %mul3A_314 = arith.constant 16 : i32
        %mul3A_315 = arith.muli %scan3A_56, %mul3A_314 : i32
        %add3A_316 = arith.constant 10 : i32
        %add3A_317 = arith.addi %mul3A_315, %add3A_316 : i32
        %get3A_318 = arith.index_cast %add3A_317 : i32 to index
        %get3A_319 = arith.constant 0 : index
        %get3A_320 = tpu.vector_load %arg6[%get3A_318, %get3A_319] {strides = array<i32>} : memref<1040x32xi16, #tpu.memory_space<vmem>>, vector<32xi16>,
        %slice3A_321 = vector.extract_strided_slice %add3A_80 {offsets = [10], sizes = [1], strides = [1]} : vector<16xi32> to vector<1xi32>
        %squeeze3A_322 = vector.extract %slice3A_321[0] : i32 from vector<1xi32>
        %get3A_323 = arith.index_cast %squeeze3A_322 : i32 to index
        %get3A_324 = arith.constant 0 : index
        %get3A_325 = tpu.vector_load %arg6[%get3A_323, %get3A_324] {strides = array<i32>} : memref<1040x32xi16, #tpu.memory_space<vmem>>, vector<32xi16>,
        %and3A_326 = arith.andi %get3A_325, %get3A_320 : vector<32xi16>
        %add3A_327 = arith.addi %add3A_306, %and3A_326 : vector<32xi16>
        %slice3A_328 = vector.extract_strided_slice %add3A_106 {offsets = [10], sizes = [1], strides = [1]} : vector<16xi32> to vector<1xi32>
        %squeeze3A_329 = vector.extract %slice3A_328[0] : i32 from vector<1xi32>
        %get3A_330 = arith.index_cast %squeeze3A_329 : i32 to index
        %get3A_331 = arith.constant 0 : index
        %get3A_332 = tpu.vector_load %arg6[%get3A_330, %get3A_331] {strides = array<i32>} : memref<1040x32xi16, #tpu.memory_space<vmem>>, vector<32xi16>,
        %and3A_333 = arith.andi %get3A_332, %get3A_320 : vector<32xi16>
        %add3A_334 = arith.addi %add3A_313, %and3A_333 : vector<32xi16>
        %mul3A_335 = arith.constant 16 : i32
        %mul3A_336 = arith.muli %scan3A_56, %mul3A_335 : i32
        %add3A_337 = arith.constant 11 : i32
        %add3A_338 = arith.addi %mul3A_336, %add3A_337 : i32
        %get3A_339 = arith.index_cast %add3A_338 : i32 to index
        %get3A_340 = arith.constant 0 : index
        %get3A_341 = tpu.vector_load %arg6[%get3A_339, %get3A_340] {strides = array<i32>} : memref<1040x32xi16, #tpu.memory_space<vmem>>, vector<32xi16>,
        %slice3A_342 = vector.extract_strided_slice %add3A_80 {offsets = [11], sizes = [1], strides = [1]} : vector<16xi32> to vector<1xi32>
        %squeeze3A_343 = vector.extract %slice3A_342[0] : i32 from vector<1xi32>
        %get3A_344 = arith.index_cast %squeeze3A_343 : i32 to index
        %get3A_345 = arith.constant 0 : index
        %get3A_346 = tpu.vector_load %arg6[%get3A_344, %get3A_345] {strides = array<i32>} : memref<1040x32xi16, #tpu.memory_space<vmem>>, vector<32xi16>,
        %and3A_347 = arith.andi %get3A_346, %get3A_341 : vector<32xi16>
        %add3A_348 = arith.addi %add3A_327, %and3A_347 : vector<32xi16>
        %slice3A_349 = vector.extract_strided_slice %add3A_106 {offsets = [11], sizes = [1], strides = [1]} : vector<16xi32> to vector<1xi32>
        %squeeze3A_350 = vector.extract %slice3A_349[0] : i32 from vector<1xi32>
        %get3A_351 = arith.index_cast %squeeze3A_350 : i32 to index
        %get3A_352 = arith.constant 0 : index
        %get3A_353 = tpu.vector_load %arg6[%get3A_351, %get3A_352] {strides = array<i32>} : memref<1040x32xi16, #tpu.memory_space<vmem>>, vector<32xi16>,
        %and3A_354 = arith.andi %get3A_353, %get3A_341 : vector<32xi16>
        %add3A_355 = arith.addi %add3A_334, %and3A_354 : vector<32xi16>
        %mul3A_356 = arith.constant 16 : i32
        %mul3A_357 = arith.muli %scan3A_56, %mul3A_356 : i32
        %add3A_358 = arith.constant 12 : i32
        %add3A_359 = arith.addi %mul3A_357, %add3A_358 : i32
        %get3A_360 = arith.index_cast %add3A_359 : i32 to index
        %get3A_361 = arith.constant 0 : index
        %get3A_362 = tpu.vector_load %arg6[%get3A_360, %get3A_361] {strides = array<i32>} : memref<1040x32xi16, #tpu.memory_space<vmem>>, vector<32xi16>,
        %slice3A_363 = vector.extract_strided_slice %add3A_80 {offsets = [12], sizes = [1], strides = [1]} : vector<16xi32> to vector<1xi32>
        %squeeze3A_364 = vector.extract %slice3A_363[0] : i32 from vector<1xi32>
        %get3A_365 = arith.index_cast %squeeze3A_364 : i32 to index
        %get3A_366 = arith.constant 0 : index
        %get3A_367 = tpu.vector_load %arg6[%get3A_365, %get3A_366] {strides = array<i32>} : memref<1040x32xi16, #tpu.memory_space<vmem>>, vector<32xi16>,
        %and3A_368 = arith.andi %get3A_367, %get3A_362 : vector<32xi16>
        %add3A_369 = arith.addi %add3A_348, %and3A_368 : vector<32xi16>
        %slice3A_370 = vector.extract_strided_slice %add3A_106 {offsets = [12], sizes = [1], strides = [1]} : vector<16xi32> to vector<1xi32>
        %squeeze3A_371 = vector.extract %slice3A_370[0] : i32 from vector<1xi32>
        %get3A_372 = arith.index_cast %squeeze3A_371 : i32 to index
        %get3A_373 = arith.constant 0 : index
        %get3A_374 = tpu.vector_load %arg6[%get3A_372, %get3A_373] {strides = array<i32>} : memref<1040x32xi16, #tpu.memory_space<vmem>>, vector<32xi16>,
        %and3A_375 = arith.andi %get3A_374, %get3A_362 : vector<32xi16>
        %add3A_376 = arith.addi %add3A_355, %and3A_375 : vector<32xi16>
        %mul3A_377 = arith.constant 16 : i32
        %mul3A_378 = arith.muli %scan3A_56, %mul3A_377 : i32
        %add3A_379 = arith.constant 13 : i32
        %add3A_380 = arith.addi %mul3A_378, %add3A_379 : i32
        %get3A_381 = arith.index_cast %add3A_380 : i32 to index
        %get3A_382 = arith.constant 0 : index
        %get3A_383 = tpu.vector_load %arg6[%get3A_381, %get3A_382] {strides = array<i32>} : memref<1040x32xi16, #tpu.memory_space<vmem>>, vector<32xi16>,
        %slice3A_384 = vector.extract_strided_slice %add3A_80 {offsets = [13], sizes = [1], strides = [1]} : vector<16xi32> to vector<1xi32>
        %squeeze3A_385 = vector.extract %slice3A_384[0] : i32 from vector<1xi32>
        %get3A_386 = arith.index_cast %squeeze3A_385 : i32 to index
        %get3A_387 = arith.constant 0 : index
        %get3A_388 = tpu.vector_load %arg6[%get3A_386, %get3A_387] {strides = array<i32>} : memref<1040x32xi16, #tpu.memory_space<vmem>>, vector<32xi16>,
        %and3A_389 = arith.andi %get3A_388, %get3A_383 : vector<32xi16>
        %add3A_390 = arith.addi %add3A_369, %and3A_389 : vector<32xi16>
        %slice3A_391 = vector.extract_strided_slice %add3A_106 {offsets = [13], sizes = [1], strides = [1]} : vector<16xi32> to vector<1xi32>
        %squeeze3A_392 = vector.extract %slice3A_391[0] : i32 from vector<1xi32>
        %get3A_393 = arith.index_cast %squeeze3A_392 : i32 to index
        %get3A_394 = arith.constant 0 : index
        %get3A_395 = tpu.vector_load %arg6[%get3A_393, %get3A_394] {strides = array<i32>} : memref<1040x32xi16, #tpu.memory_space<vmem>>, vector<32xi16>,
        %and3A_396 = arith.andi %get3A_395, %get3A_383 : vector<32xi16>
        %add3A_397 = arith.addi %add3A_376, %and3A_396 : vector<32xi16>
        %mul3A_398 = arith.constant 16 : i32
        %mul3A_399 = arith.muli %scan3A_56, %mul3A_398 : i32
        %add3A_400 = arith.constant 14 : i32
        %add3A_401 = arith.addi %mul3A_399, %add3A_400 : i32
        %get3A_402 = arith.index_cast %add3A_401 : i32 to index
        %get3A_403 = arith.constant 0 : index
        %get3A_404 = tpu.vector_load %arg6[%get3A_402, %get3A_403] {strides = array<i32>} : memref<1040x32xi16, #tpu.memory_space<vmem>>, vector<32xi16>,
        %slice3A_405 = vector.extract_strided_slice %add3A_80 {offsets = [14], sizes = [1], strides = [1]} : vector<16xi32> to vector<1xi32>
        %squeeze3A_406 = vector.extract %slice3A_405[0] : i32 from vector<1xi32>
        %get3A_407 = arith.index_cast %squeeze3A_406 : i32 to index
        %get3A_408 = arith.constant 0 : index
        %get3A_409 = tpu.vector_load %arg6[%get3A_407, %get3A_408] {strides = array<i32>} : memref<1040x32xi16, #tpu.memory_space<vmem>>, vector<32xi16>,
        %and3A_410 = arith.andi %get3A_409, %get3A_404 : vector<32xi16>
        %add3A_411 = arith.addi %add3A_390, %and3A_410 : vector<32xi16>
        %slice3A_412 = vector.extract_strided_slice %add3A_106 {offsets = [14], sizes = [1], strides = [1]} : vector<16xi32> to vector<1xi32>
        %squeeze3A_413 = vector.extract %slice3A_412[0] : i32 from vector<1xi32>
        %get3A_414 = arith.index_cast %squeeze3A_413 : i32 to index
        %get3A_415 = arith.constant 0 : index
        %get3A_416 = tpu.vector_load %arg6[%get3A_414, %get3A_415] {strides = array<i32>} : memref<1040x32xi16, #tpu.memory_space<vmem>>, vector<32xi16>,
        %and3A_417 = arith.andi %get3A_416, %get3A_404 : vector<32xi16>
        %add3A_418 = arith.addi %add3A_397, %and3A_417 : vector<32xi16>
        %mul3A_419 = arith.constant 16 : i32
        %mul3A_420 = arith.muli %scan3A_56, %mul3A_419 : i32
        %add3A_421 = arith.constant 15 : i32
        %add3A_422 = arith.addi %mul3A_420, %add3A_421 : i32
        %get3A_423 = arith.index_cast %add3A_422 : i32 to index
        %get3A_424 = arith.constant 0 : index
        %get3A_425 = tpu.vector_load %arg6[%get3A_423, %get3A_424] {strides = array<i32>} : memref<1040x32xi16, #tpu.memory_space<vmem>>, vector<32xi16>,
        %slice3A_426 = vector.extract_strided_slice %add3A_80 {offsets = [15], sizes = [1], strides = [1]} : vector<16xi32> to vector<1xi32>
        %squeeze3A_427 = vector.extract %slice3A_426[0] : i32 from vector<1xi32>
        %get3A_428 = arith.index_cast %squeeze3A_427 : i32 to index
        %get3A_429 = arith.constant 0 : index
        %get3A_430 = tpu.vector_load %arg6[%get3A_428, %get3A_429] {strides = array<i32>} : memref<1040x32xi16, #tpu.memory_space<vmem>>, vector<32xi16>,
        %and3A_431 = arith.andi %get3A_430, %get3A_425 : vector<32xi16>
        %add3A_432 = arith.addi %add3A_411, %and3A_431 : vector<32xi16>
        %slice3A_433 = vector.extract_strided_slice %add3A_106 {offsets = [15], sizes = [1], strides = [1]} : vector<16xi32> to vector<1xi32>
        %squeeze3A_434 = vector.extract %slice3A_433[0] : i32 from vector<1xi32>
        %get3A_435 = arith.index_cast %squeeze3A_434 : i32 to index
        %get3A_436 = arith.constant 0 : index
        %get3A_437 = tpu.vector_load %arg6[%get3A_435, %get3A_436] {strides = array<i32>} : memref<1040x32xi16, #tpu.memory_space<vmem>>, vector<32xi16>,
        %and3A_438 = arith.andi %get3A_437, %get3A_425 : vector<32xi16>
        %add3A_439 = arith.addi %add3A_418, %and3A_438 : vector<32xi16>
        scf.yield %add3A_432, %add3A_439 : vector<32xi16>, vector<32xi16>
      }
      %scan3A_24 = arith.constant 49 : i32
      %add3A_25 = arith.addi %scan3A_23#0, %scan3A_23#0 : vector<32xi16>
      %sub3A = arith.subi %add3A_25, %scan3A_5 : vector<32xi16>
      %sub3A_26 = arith.constant 1 : i16
      %sub3A_27 = vector.broadcast %sub3A_26 : i16 to vector<32xi16>
      %sub3A_28 = arith.subi %sub3A, %sub3A_27 : vector<32xi16>
      %gt3A = arith.cmpi sgt, %sub3A_28, %broadcast_in_dim3A_8 : vector<32xi16>
      %jit3A = arith.constant 1 : i16
      %jit3A_29 = arith.constant -1 : i16
      %broadcast_in_dim3A_30 = vector.broadcast %jit3A : i16 to vector<32xi16>
      %broadcast_in_dim3A_31 = vector.broadcast %jit3A_29 : i16 to vector<32xi16>
      %select_n3A = arith.select %gt3A, %broadcast_in_dim3A_30, %broadcast_in_dim3A_31 : vector<32xi1>, vector<32xi16>
      %mul3A_32 = arith.constant 2 : i32
      %mul3A_33 = arith.muli %scan3A_14, %mul3A_32 : i32
      %add3A_34 = arith.constant 0 : i32
      %add3A_35 = arith.addi %mul3A_33, %add3A_34 : i32
      %swap3A = arith.index_cast %add3A_35 : i32 to index
      %swap3A_36 = arith.constant 0 : index
      %swap3A_37 = tpu.vector_load %arg7[%swap3A, %swap3A_36] {strides = array<i32>} : memref<64x32xi16, #tpu.memory_space<vmem>>, vector<32xi16>,
      tpu.vector_store %arg7[%swap3A, %swap3A_36], %select_n3A {strides = array<i32>} : memref<64x32xi16, #tpu.memory_space<vmem>>, vector<32xi16>,
      %add3A_38 = arith.addi %scan3A_23#1, %scan3A_23#1 : vector<32xi16>
      %sub3A_39 = arith.subi %add3A_38, %scan3A_5 : vector<32xi16>
      %sub3A_40 = arith.constant 1 : i16
      %sub3A_41 = vector.broadcast %sub3A_40 : i16 to vector<32xi16>
      %sub3A_42 = arith.subi %sub3A_39, %sub3A_41 : vector<32xi16>
      %gt3A_43 = arith.cmpi sgt, %sub3A_42, %broadcast_in_dim3A_8 : vector<32xi16>
      %jit3A_44 = arith.constant 1 : i16
      %jit3A_45 = arith.constant -1 : i16
      %broadcast_in_dim3A_46 = vector.broadcast %jit3A_44 : i16 to vector<32xi16>
      %broadcast_in_dim3A_47 = vector.broadcast %jit3A_45 : i16 to vector<32xi16>
      %select_n3A_48 = arith.select %gt3A_43, %broadcast_in_dim3A_46, %broadcast_in_dim3A_47 : vector<32xi1>, vector<32xi16>
      %mul3A_49 = arith.constant 2 : i32
      %mul3A_50 = arith.muli %scan3A_14, %mul3A_49 : i32
      %add3A_51 = arith.constant 1 : i32
      %add3A_52 = arith.addi %mul3A_50, %add3A_51 : i32
      %swap3A_53 = arith.index_cast %add3A_52 : i32 to index
      %swap3A_54 = arith.constant 0 : index
      %swap3A_55 = tpu.vector_load %arg7[%swap3A_53, %swap3A_54] {strides = array<i32>} : memref<64x32xi16, #tpu.memory_space<vmem>>, vector<32xi16>,
      tpu.vector_store %arg7[%swap3A_53, %swap3A_54], %select_n3A_48 {strides = array<i32>} : memref<64x32xi16, #tpu.memory_space<vmem>>, vector<32xi16>,
    }
    %scan3A_13 = arith.constant 32 : i32
    "tpu.region"() ({
      %run_scoped3A = tpu.sem_alloc : memref<!tpu.dma_semaphore, #tpu.memory_space<semaphore_mem>>
      %dma_start3A = arith.constant 0 : i32
      %dma_start3A_14 = arith.constant 0 : i32
      %dma_start3A_15 = tpu.memref_slice %arg4[%add3A, %dma_start3A, %dma_start3A_14] : memref<32x64x32xi16, #tpu.memory_space<hbm>> -> memref<1x64x32xi16, #tpu.memory_space<hbm>>
      %dma_start3A_16 = tpu.memref_squeeze %dma_start3A_15 : memref<1x64x32xi16, #tpu.memory_space<hbm>> -> memref<64x32xi16, #tpu.memory_space<hbm>>
      %dma_start3A_17 = arith.constant 0 : i32
      %dma_start3A_18 = arith.constant 0 : i32
      %dma_start3A_19 = tpu.memref_slice %arg4[%add3A, %dma_start3A_17, %dma_start3A_18] : memref<32x64x32xi16, #tpu.memory_space<hbm>> -> memref<1x64x32xi16, #tpu.memory_space<hbm>>
      %dma_start3A_20 = tpu.memref_squeeze %dma_start3A_19 : memref<1x64x32xi16, #tpu.memory_space<hbm>> -> memref<64x32xi16, #tpu.memory_space<hbm>>
      tpu.enqueue_dma source(%arg7 : memref<64x32xi16, #tpu.memory_space<vmem>>) target(%dma_start3A_20 : memref<64x32xi16, #tpu.memory_space<hbm>>) target_semaphore(%run_scoped3A : memref<!tpu.dma_semaphore, #tpu.memory_space<semaphore_mem>>)
      %dma_wait3A = arith.constant 0 : i32
      %dma_wait3A_21 = arith.constant 0 : i32
      %dma_wait3A_22 = tpu.memref_slice %arg4[%add3A, %dma_wait3A, %dma_wait3A_21] : memref<32x64x32xi16, #tpu.memory_space<hbm>> -> memref<1x64x32xi16, #tpu.memory_space<hbm>>
      %dma_wait3A_23 = tpu.memref_squeeze %dma_wait3A_22 : memref<1x64x32xi16, #tpu.memory_space<hbm>> -> memref<64x32xi16, #tpu.memory_space<hbm>>
      %dma_wait3A_24 = arith.constant 0 : i32
      %dma_wait3A_25 = arith.constant 0 : i32
      %dma_wait3A_26 = tpu.memref_slice %arg4[%add3A, %dma_wait3A_24, %dma_wait3A_25] : memref<32x64x32xi16, #tpu.memory_space<hbm>> -> memref<1x64x32xi16, #tpu.memory_space<hbm>>
      %dma_wait3A_27 = tpu.memref_squeeze %dma_wait3A_26 : memref<1x64x32xi16, #tpu.memory_space<hbm>> -> memref<64x32xi16, #tpu.memory_space<hbm>>
      tpu.wait_dma2 semaphore(%run_scoped3A : memref<!tpu.dma_semaphore, #tpu.memory_space<semaphore_mem>>) src(%arg7 : memref<64x32xi16, #tpu.memory_space<vmem>>) dst(%dma_wait3A_27 : memref<64x32xi16, #tpu.memory_space<hbm>>)
      tpu.yield
    }) : () -> ()
    return
  }
}

</mosaic_0001>

<sc_bundles>
// kernel: kernel.3.cloned.1.call-start
scs
__scs_entry_jumppad:
0x0: {  	(pc) =	sbr.rel $0x88, $3  }
0x1: {  	(tag) =	ssettag $0x0;
	lr =	simm.s32 $0x1  }
0x2: {  	[smem:$0x3F9E] =	sst lr;
	_ =	strace $0xD0000000  }
0x3: {  	_ = 	snop  }
0x4: {  	_ = 	snop  }
0x5: {  	_ = 	snop  }
0x6: {  	_ = 	snop  }
0x7: {  	_ = 	snop  }
__scs_overlays_trampoline_lowered:
0x8: {  	[smem:$0x3FAD] =	sst s0  }
0x9: {  	[smem:$0x3FAE] =	sst s1  }
0xa: {  	[smem:$0x3FAF] =	sst s2  }
0xb: {  	[smem:$0x3FB0] =	sst s3  }
0xc: {  	[smem:$0x3FB1] =	sst s4  }
0xd: {  	[smem:$0x3FB2] =	sst s5  }
0xe: {  	[smem:$0x3FB3] =	sst s6  }
0xf: {  	[smem:$0x3FB4] =	sst s7  }
0x10: {  	[smem:$0x3FB5] =	sst s8  }
0x11: {  	[smem:$0x3FB6] =	sst s9;
	s0 =	simm.s32 @!p0 $0x0  }
0x12: {  	s1 =	sld [smem:$0x3F9C];
	s0 =	simm.s32 @p0 $0x1  }
0x13: {  	[smem:$0x3FB7] =	sst s0;
	s0 =	simm.s32 @!p1 $0x0  }
0x14: {  	s2 =	sld [smem:$0x3F9B];
	s0 =	simm.s32 @p1 $0x1  }
0x15: {  	[smem:$0x3FB8] =	sst s0;
	s0 =	simm.s32 @!p2 $0x0  }
0x16: {  	s3 =	sld [smem:$0x3FDB];
	s0 =	simm.s32 @p2 $0x1  }
0x17: {  	s4 =	simm.s32 $0x1BF5;
	[smem:$0x3FBA] =	sst s0  }
0x18: {  	s0 =	sld [smem:$0x3F9D];
	_ =	swait.ge [sflag:s4], $0x0  }
0x19: {  	s7 =	sld [smem:$0x3F9E]  }
0x1a: {  	s8 =	sadd.s32 $0xFFFFE003, lr  }
0x1b: {  	s9 =	sadd.s32 $0xFFFFFEF7, lr;
	s5 =	simm.s32 $0xFFFFFFFF;
	p2 =	slt.u32 s8, $0xFFFFF086  }
0x1c: {  	p1 =	slt.u32 s9, $0xF7A;
	s5 =	simm.s32 @!p2 $0x0  }
0x1d: {  	s5 =	simm.s32 @p1 $0x1;
	p0 =	seq.s32 s7, s2  }
0x1e: {  	s7 =	smul.u32 @!p0 $0xF7A, s2;
	p2 =	seq.s32 @!p0 s5, $0x0  }
0x1f: {  	s9 =	smul.u32 $0xF7A, s1;
	s8 =	simm.s32 @!p0 $0x1BF5;
	p2 =	por !p2, p0  }
0x20: {  	[sflag:s8] =	ssyncset.s32 @!p0 $0xFFFFF086;
	s6 =	sadd.s32 @!p0 s3, s7;
	s7 =	simm.s32 @!p0 $0x108  }
0x21: {  	s3 =	sadd.s32 s3, s9;
	s6 =	sadd.s32 @!p0 $0x88, s6;
	s7 =	simm.s32 @p2 $0x1082  }
0x22: {  	[simem:s7], [sflag:s8] =	dma.local @!p0 [hbm:s6], $0xF7A  }
0x23: {  	s9 =	sor.u32 $0xD0000000, s2;
	s6 =	simm.s32 $0x108;
	_ =	swait.ge @!p0 [sflag:s8], $0x0  }
0x24: {  	s3 =	sadd.s32 $0x88, s3;
	s6 =	simm.s32 @!p1 $0x1082;
	[sflag:s4] =	ssyncset.s32 $0xFFFFF086  }
0x25: {  	[simem:s6], [sflag:s4] =	dma.local [hbm:s3], $0xF7A  }
0x26: {  	[smem:$0x3F9E] =	sst s1;
	(tag) =	ssettag s2;
	_ =	strace s9  }
0x27: {  	s1 =	sld [smem:$0x3FAE]  }
0x28: {  	s2 =	sld [smem:$0x3FAF]  }
0x29: {  	s4 =	sld [smem:$0x3FB1]  }
0x2a: {  	p0 =	seq.s32 s5, $0x0;
	s5 =	sld [smem:$0x3FB2]  }
0x2b: {  	s6 =	sld [smem:$0x3FB3]  }
0x2c: {  	s7 =	sld [smem:$0x3FB4]  }
0x2d: {  	s3 =	simm.s32 $0x108;
	s8 =	sld [smem:$0x3FB5]  }
0x2e: {  	s3 =	simm.s32 @!p0 $0x1082;
	s9 =	sld [smem:$0x3FB6]  }
0x2f: {  	lr =	sadd.s32 s0, s3;
	s0 =	sld [smem:$0x3FAD]  }
0x30: {  	s3 =	sld [smem:$0x3FB0]  }
0x31: {  	[smem:$0x3FB9] =	sst s10  }
0x32: {  	s10 =	sld [smem:$0x3FB7];
	_ =	sdelay $0x3  }
0x33: {  	p0 =	seq.s32 s10, $0x1;
	s10 =	sld [smem:$0x3FB9];
	_ =	sdelay $0x3  }
0x34: {  	[smem:$0x3FB9] =	sst s10  }
0x35: {  	s10 =	sld [smem:$0x3FB8];
	_ =	sdelay $0x3  }
0x36: {  	p1 =	seq.s32 s10, $0x1;
	s10 =	sld [smem:$0x3FB9];
	_ =	sdelay $0x3  }
0x37: {  	[smem:$0x3FB9] =	sst s10  }
0x38: {  	s10 =	sld [smem:$0x3FBA]  }
0x39: {  	_ = 	snop;
	(pc) =	sbr.ind lr, $3  }
0x3a: {  	_ = 	snop  }
0x3b: {  	_ = 	snop  }
0x3c: {  	p2 =	seq.s32 s10, $0x1;
	s10 =	sld [smem:$0x3FB9]  }
0x3d: {  	_ =	shalt  }
0x3e: {  	_ =	shalt  }
0x3f: {  	_ =	shalt  }
0x40: {  	_ =	shalt  }
0x41: {  	_ =	shalt  }
0x42: {  	_ =	shalt  }
0x43: {  	_ =	shalt  }
0x44: {  	_ =	shalt  }
0x45: {  	_ =	shalt  }
0x46: {  	_ =	shalt  }
0x47: {  	_ =	shalt  }
0x48: {  	_ =	shalt  }
0x49: {  	_ =	shalt  }
0x4a: {  	_ =	shalt  }
0x4b: {  	_ =	shalt  }
0x4c: {  	_ =	shalt  }
0x4d: {  	_ =	shalt  }
0x4e: {  	_ =	shalt  }
0x4f: {  	_ =	shalt  }
0x50: {  	_ =	shalt  }
0x51: {  	_ =	shalt  }
0x52: {  	_ =	shalt  }
0x53: {  	_ =	shalt  }
0x54: {  	_ =	shalt  }
0x55: {  	_ =	shalt  }
0x56: {  	_ =	shalt  }
0x57: {  	_ =	shalt  }
0x58: {  	_ =	shalt  }
0x59: {  	_ =	shalt  }
0x5a: {  	_ =	shalt  }
0x5b: {  	_ =	shalt  }
0x5c: {  	_ =	shalt  }
0x5d: {  	_ =	shalt  }
0x5e: {  	_ =	shalt  }
0x5f: {  	_ =	shalt  }
0x60: {  	_ =	shalt  }
0x61: {  	_ =	shalt  }
0x62: {  	_ =	shalt  }
0x63: {  	_ =	shalt  }
0x64: {  	_ =	shalt  }
0x65: {  	_ =	shalt  }
0x66: {  	_ =	shalt  }
0x67: {  	_ =	shalt  }
0x68: {  	_ =	shalt  }
0x69: {  	_ =	shalt  }
0x6a: {  	_ =	shalt  }
0x6b: {  	_ =	shalt  }
0x6c: {  	_ =	shalt  }
0x6d: {  	_ =	shalt  }
0x6e: {  	_ =	shalt  }
0x6f: {  	_ =	shalt  }
0x70: {  	_ =	shalt  }
0x71: {  	_ =	shalt  }
0x72: {  	_ =	shalt  }
0x73: {  	_ =	shalt  }
0x74: {  	_ =	shalt  }
0x75: {  	_ =	shalt  }
0x76: {  	_ =	shalt  }
0x77: {  	_ =	shalt  }
0x78: {  	_ =	shalt  }
0x79: {  	_ =	shalt  }
0x7a: {  	_ =	shalt  }
0x7b: {  	_ =	shalt  }
0x7c: {  	_ =	shalt  }
0x7d: {  	_ =	shalt  }
0x7e: {  	_ =	shalt  }
0x7f: {  	_ =	shalt  }
0x80: {  	_ =	shalt  }
0x81: {  	_ =	shalt  }
0x82: {  	_ =	shalt  }
0x83: {  	_ =	shalt  }
0x84: {  	_ =	shalt  }
0x85: {  	_ =	shalt  }
0x86: {  	_ =	shalt  }
0x87: {  	_ =	shalt  }
.Lfunc_end0:
.L_simem_size_0:
called_computation_lowered:
.L_overlay_start_0:
0x88: {  	s2 =	sld [smem:$0x3FD9]  }
0x89: {  	s3 =	sld [smem:$0x3FFE];
	_ =	sdelay $0x1  }
0x8a: {  	s1 =	srdreg.scid  }
0x8b: {  	s0 =	sand.u32 $0x1, s1  }
0x8c: {  	s17 =	sshll.u32 s0, $0xA;
	s2 =	sadd.s32 s3, s2  }
0x8d: {  	s2 =	sadd.s32 s2, s17  }
0x8e: {  	[smem:$0x3FC5] =	sst s2  }
0x8f: {  	_ = 	snop  }
0x90: {  	s2 =	sld [smem:$0x3FD0];
	(tm) =	ssettm $0x1  }
0x91: {  	s18 =	sld [smem:$0x3FFB];
	_ =	sdelay $0x3  }
0x92: {  	_ =	strace s18  }
0x93: {  	s3 =	sld [smem:$0x3FFC];
	_ =	sdelay $0x3  }
0x94: {  	_ =	strace s3  }
0x95: {  	s3 =	sld [smem:$0x3FFD];
	_ =	sdelay $0x3  }
0x96: {  	_ =	strace s3  }
0x97: {  	_ =	strace $0x8FFFFFFF  }
0x98: {  	s19 =	sld [smem:$0x3FDB];
	_ =	sdelay $0x1  }
0x99: {  	s4 =	simm.s32 $_scs_section_size  }
0x9a: {  	s5 =	simm.s32 $_size__tile_overlayer_lowered;
	s6 =	simm.s32 $_tile_overlayer_lowered  }
0x9b: {  	s22 =	simm.s32 $0x1BFF;
	s21 =	sshll.u32 s6, $0x1;
	s3 =	sadd.s32 s4, s19  }
0x9c: {  	s7 =	simm.s32 $0x0;
	s20 =	sshll.u32 s5, $0x1;
	s5 =	sadd.s32 s21, s3  }
0x9d: {  	[timem:s7], [sflag:s22] =	dma.local [hbm:s5], s20  }
0x9e: {  	_ =	swait.ge [sflag:s22], s20  }
0x9f: {  	s4 =	ssub.s32 $0x0, s20;
	[sflag:s22] =	ssyncset.done $0x0  }
0xa0: {  	[sflag:s22] =	ssyncadd.s32 s4;
	_ =	sdelay $0x1  }
0xa1: {  	s23 =	simm.s32 $0x1B8B  }
0xa2: {  	_ =	swait.ge [sflag:s23], $0x1  }
0xa3: {  	[sflag:s23] =	ssyncset.done $0x0  }
0xa4: {  	s25 =	simm.s32 $0x1B8E;
	s24 =	sld [smem:$0x3FFE];
	[sflag:s23] =	ssyncadd.s32 $0xFFFFFFFF  }
0xa5: {  	s26 =	simm.s32 $execute0_lowered;
	[smem:$0x3FD2] =	sst s25  }
0xa6: {  	s5 =	sshll.u32 s26, $0x1;
	_ =	strace $0x80000046;
	[dreg:$0x1] =	wrdreg $0xFFFFFFFF  }
0xa7: {  	s28 =	simm.s32 $_size_execute0_lowered;
	s3 =	sadd.s32 s3, s5;
	[dreg:$0x0] =	wrdreg $0x0  }
0xa8: {  	s5 =	sshll.u32 s28, $0x1;
	[dreg:$0x2] =	wrdreg s3  }
0xa9: {  	[dreg:$0x3] =	wrdreg s5  }
0xaa: {  	[dreg:$0x4] =	wrdreg $0xC0  }
0xab: {  	_ =	task [dreg:s7], $0x5FFFF  }
0xac: {  	[dreg:$0x1] =	wrdreg $0xFFFFFFFF  }
0xad: {  	[dreg:$0x0] =	wrdreg $0x60  }
0xae: {  	[dreg:$0x2] =	wrdreg s2  }
0xaf: {  	[dreg:$0x3] =	wrdreg s24  }
0xb0: {  	[dreg:$0x4] =	wrdreg $0x9  }
0xb1: {  	_ =	task.clear_ibuf [dreg:s7], $0x5FFFF;
	_ =	strace $0x90000046  }
0xb2: {  	s29 =	simm.s32 $0x9;
	_ =	strace $0x80000048  }
0xb3: {  	_ =	swait.ge [sflag:s29], $0x1  }
0xb4: {  	[sflag:s29] =	ssyncadd.s32 $0xFFFFFFFF  }
0xb5: {  	_ =	strace $0x90000048  }
0xb6: {  	_ =	sfence  }
0xb7: {  	s30 =	sld [smem:$0x0];
	_ =	sdelay $0x2  }
0xb8: {  	s31 =	sshll.u32 s1, $0xD;
	s1 =	sshrl.u32 s1, $0x2  }
0xb9: {  	s3 =	sand.u32 $0x4000, s31;
	s1 =	sadd.s32 s1, s30  }
0xba: {  	s0 =	sor.u32 s3, s0;
	s1 =	sshll.u32 s1, $0x11  }
0xbb: {  	s0 =	sor.u32 s1, s0  }
0xbc: {  	s0 =	sadd.s32 $0x8F2B, s0  }
0xbd: {  	[sflag:s0] =	ssyncadd.remote.s32 $0x1  }
0xbe: {  	_ =	sfence.sel $0xFFFF  }
0xbf: {  	[dreg:$0x0] =	wrdreg $0xFFFFFFFF;
	(pc) =	sbr.abs _section_cstart, $3  }
0xc0: {  	[dreg:$0x1] =	wrdreg $0xFFFFFFFF  }
0xc1: {  	_ =	task.clear_ibuf [dreg:s7], $0x2FFFF;
	_ =	strace $0x9FFFFFFF  }
0xc2: {  	(tm) =	ssettm $0x7FFFFFFF  }
0xc3: {  	_ =	shalt  }
tec
execute0_lowered:
.L_overlay_start_1:
0x0: {  	(tag) =	ssettag $0x1  }
0x1: {  	s2 =	rddreg [dreg:$0x0];
	s1 =	srdreg.scid  }
0x2: {  	s0 =	stileid.u32;
	s4 =	rddreg [dreg:$0x1]  }
0x3: {  	s3 =	simm.s32 $0x0;
	s9 =	simm.s32 $0x10500;
	s10 =	simm.s32 $0x0  }
0x4: {  	s5 =	sand.u32 $0x1, s1;
	s6 =	sshll.u32 s0, $0x1;
	s1 =	rddreg [dreg:$0x2]  }
0x5: {  	[smem:$0x7FF] =	sst s3;
	s6 =	sor.u32 s5, s6;
	s5 =	ssub.s32 $0x2, s5  }
0x6: {  	s7 =	smul.u32 $0x820, s6;
	s6 =	sshll.u32 s6, $0x7;
	s8 =	sshrl.u32 s5, $0x1  }
0x7: {  	_ =	strace $0x80000047;
	s6 =	sadd.s32 s6, s4;
	s8 =	ssub.s32 s5, s8  }
0x8: {  	s7 =	sadd.s32 s7, s4;
	s5 =	sadd.s32 $0x10800, s6;
	s6 =	smax.u32 s8, $0x1  }
0x9: {  	v0 =	vimm.s32 $0x10001;
	v1 =	vimm.s32 $0xFFFFFFFF;
	s8 =	simm.s32 $0xC400;
	s4 =	sadd.s32 $0x400, s7;
	s7 =	simm.s32 $0x1  }
.LBB2_1:
0xa: {  	[tilespmem:s3], [sflag:$0x1] =	stream.linear.gather [hbm4b:s2+s3], $0xC400, $0x38;
	[tilespmem:$0x10900] =	vst v63  }
0xb: {  	_ =	swait.ge [sflag:s7], $0xC400  }
0xc: {  	[sflag:s7] =	ssyncset.done $0x0  }
0xd: {  	[sflag:s7] =	ssyncadd.s32 $0xFFFF3C00  }
0xe: {  	[tilespmem:s8], [sflag:$0x1] =	stream.linear.gather [hbm4b:s4+s3], $0x4100, $0x38;
	[tilespmem:$0x10900] =	vst v63  }
0xf: {  	_ =	swait.ge [sflag:s7], $0x4100  }
0x10: {  	[sflag:s7] =	ssyncset.done $0x0  }
0x11: {  	s11 =	simm.s32 $0xC440;
	[sflag:s7] =	ssyncadd.s32 $0xFFFFBF00  }
0x12: {  	v4 =	vld [tilespmem:s11+$0xFFFFFFC0]  }
0x13: {  	v5 =	vld [tilespmem:s11+$0xFFFFFFD0]  }
0x14: {  	v6 =	vld [tilespmem:s11+$0xFFFFFFE0]  }
0x15: {  	v2 =	vld [tilespmem:s11+$0xFFFFFFF0]  }
0x16: {  	v7 =	vimm.s32 $0x0;
	v3 =	vld [tilespmem:s11+$0x0]  }
0x17: {  	v7 =	vadd.s16 v7, v4;
	v4 =	vld [tilespmem:s11+$0x10]  }
0x18: {  	v7 =	vadd.s16 v5, v7;
	v5 =	vld [tilespmem:s11+$0x20]  }
0x19: {  	s12 =	simm.s32 $0x0;
	s13 =	simm.s32 $0xC4C0;
	v7 =	vadd.s16 v6, v7;
	v6 =	vld [tilespmem:s11+$0x30]  }
.LBB2_2:
0x1a: {  	v8 =	vld [tilespmem:s13+$0xFFFFFFC0];
	s12 =	sadd.s32 $0x8, s12;
	v2 =	vadd.s16 v2, v7  }
0x1b: {  	v7 =	vld [tilespmem:s13+$0xFFFFFFD0];
	p0 =	slt.u32 s12, $0x308;
	v2 =	vadd.s16 v3, v2  }
0x1c: {  	v9 =	vld [tilespmem:s13+$0xFFFFFFE0];
	v3 =	vadd.s16 v4, v2  }
.Ltmp0:
0x1d: {  	v2 =	vld [tilespmem:s13+$0xFFFFFFF0];
	v4 =	vadd.s16 v5, v3;
	(pc) =	sbr.rel @p0 .LBB2_2-.Ltmp0, $4  }
0x1e: {  	s11 =	simm.s32 $0x310;
	v3 =	vld [tilespmem:s13+$0x0];
	v4 =	vadd.s16 v6, v4  }
0x1f: {  	v5 =	vadd.s16 v4, v8;
	v4 =	vld [tilespmem:s13+$0x10]  }
0x20: {  	v6 =	vadd.s16 v7, v5;
	v5 =	vld [tilespmem:s13+$0x20]  }
0x21: {  	v7 =	vadd.s16 v9, v6;
	v6 =	vld [tilespmem:s13+$0x30];
	s13 =	sadd.s32 $0x80, s13  }
0x22: {  	v2 =	vadd.s16 v2, v7  }
0x23: {  	v2 =	vadd.s16 v3, v2  }
0x24: {  	v2 =	vadd.s16 v4, v2  }
0x25: {  	v2 =	vadd.s16 v5, v2  }
0x26: {  	s12 =	simm.s32 $0x0;
	v2 =	vadd.s16 v6, v2  }
.LBB2_4:
0x27: {  	v12 =	vmov s11;
	_ =	sdelay $0x3  }
0x28: {  	s13 =	simm.s32 $0x0  }
0x29: {  	v3 =	vld.idx.msk [tilespmem:v12+s13+$0xFFFFFCF0 ss:$0x1], $0xffff;
	_ =	sdelay $0x4  }
0x2a: {  	v4 =	vld.idx.msk [tilespmem:v12+s13+$0x0 ss:$0x1], $0xffff;
	v3 =	vmul.f32 $9.960937500e-01, v3;
	_ =	sdelay $0x1  }
0x2b: {  	v3 =	vadd.f32 $8.388608000e+06, v3;
	_ =	sdelay $0x1  }
0x2c: {  	v3 =	vadd.f32 $-8.388608000e+06, v3  }
0x2d: {  	v4 =	vmul.f32 $9.960937500e-01, v4  }
0x2e: {  	v3 =	vmax.f32 v3, $0.0e+00  }
0x2f: {  	v4 =	vadd.f32 $8.388608000e+06, v4;
	v3 =	vmin.f32 v3, $2.550000000e+02  }
0x30: {  	v3 =	vtrunc.f32 v3  }
0x31: {  	v4 =	vadd.f32 $-8.388608000e+06, v4;
	v3 =	vcvt.f32.s32 v3;
	_ =	sdelay $0x1  }
0x32: {  	v4 =	vmax.f32 v4, $0.0e+00;
	v3 =	vadd.s32 $0x310, v3  }
0x33: {  	v4 =	vmin.f32 v4, $2.550000000e+02;
	v3 =	vshll.u32 v3, $0x6  }
0x34: {  	v4 =	vtrunc.f32 v4;
	v3 =	vshra.s32 v3, $0x2  }
0x35: {  	s13 =	simm.s32 $0xC480;
	v4 =	vcvt.f32.s32 v4;
	v21 =	vadd.s32 $0xC400, v3  }
0x36: {  	v13 =	vld [tilespmem:s13+$0xFFFFFFE0];
	(v2sf) =	vpush v21, $0xF  }
0x37: {  	v5 =	vld [tilespmem:s13+$0x50];
	v4 =	vadd.s32 $0x310, v4;
	(v2sf) =	vpush v21, $0x0  }
0x38: {  	v7 =	vld [tilespmem:s13+$0x30];
	v4 =	vshll.u32 v4, $0x6;
	(v2sf) =	vpush v21, $0xE  }
0x39: {  	v8 =	vld [tilespmem:s13+$0x20];
	v6 =	vshra.s32 v4, $0x2;
	(v2sf) =	vpush v21, $0x1  }
0x3a: {  	v9 =	vld [tilespmem:s13+$0x10];
	v18 =	vadd.s32 $0xC400, v6;
	(v2sf) =	vpush v21, $0x2  }
0x3b: {  	v11 =	vld [tilespmem:s13+$0x0];
	(v2sf) =	vpush v18, $0x2  }
0x3c: {  	v10 =	vld [tilespmem:s13+$0xFFFFFFF0];
	(v2sf) =	vpush v18, $0x3  }
0x3d: {  	v20 =	vld [tilespmem:s13+$0xFFFFFFB0];
	(v2sf) =	vpush v21, $0x3  }
0x3e: {  	v23 =	vld [tilespmem:s13+$0xFFFFFFD0];
	(v2sf) =	vpush v21, $0x4  }
0x3f: {  	v24 =	vld [tilespmem:s13+$0xFFFFFFC0];
	(v2sf) =	vpush v18, $0x4  }
0x40: {  	v22 =	vld [tilespmem:s13+$0xFFFFFFA0];
	(v2sf) =	vpush v21, $0x5  }
0x41: {  	v14 =	vld [tilespmem:s13+$0xFFFFFF90];
	(v2sf) =	vpush v18, $0x5  }
0x42: {  	v16 =	vld [tilespmem:s13+$0xFFFFFF80];
	(v2sf) =	vpush v21, $0x6  }
0x43: {  	v4 =	vld [tilespmem:s13+$0x70]  }
0x44: {  	v3 =	vld [tilespmem:s13+$0x60];
	(v2sf) =	vpush v21, $0xD  }
0x45: {  	v6 =	vld [tilespmem:s13+$0x40];
	(v2sf) =	vpush v18, $0x6;
	s14 =	spop (v2sf)  }
0x46: {  	(v2sf) =	vpush v18, $0x7;
	v17 =	vld [tilespmem:s14+$0x0];
	s20 =	spop (v2sf)  }
0x47: {  	(v2sf) =	vpush v21, $0x7;
	v25 =	vld [tilespmem:s20+$0x0];
	s21 =	spop (v2sf)  }
0x48: {  	(v2sf) =	vpush v21, $0x8;
	v15 =	vld [tilespmem:s21+$0x0];
	s22 =	spop (v2sf)  }
0x49: {  	(v2sf) =	vpush v18, $0x8;
	v26 =	vld [tilespmem:s22+$0x0];
	s23 =	spop (v2sf)  }
0x4a: {  	(v2sf) =	vpush v18, $0x9;
	v28 =	vld [tilespmem:s23+$0x0];
	s24 =	spop (v2sf)  }
0x4b: {  	(v2sf) =	vpush v21, $0x9;
	v31 =	vld [tilespmem:s24+$0x0];
	s25 =	spop (v2sf)  }
0x4c: {  	(v2sf) =	vpush v21, $0xA;
	v32 =	vld [tilespmem:s25+$0x0];
	s26 =	spop (v2sf)  }
0x4d: {  	v19 =	vimm.s32 $0x0;
	v25 =	vand.u32 v16, v25;
	(v2sf) =	vpush v18, $0xA;
	v27 =	vld [tilespmem:s26+$0x0];
	s28 =	spop (v2sf)  }
0x4e: {  	v25 =	vadd.s16 v19, v25;
	(v2sf) =	vpush v18, $0xB;
	v29 =	vand.u32 v14, v26;
	v26 =	vld [tilespmem:s28+$0x0];
	s29 =	spop (v2sf)  }
0x4f: {  	(v2sf) =	vpush v21, $0xB;
	v25 =	vadd.s16 v29, v25;
	v28 =	vand.u32 v22, v28;
	v29 =	vld [tilespmem:s29+$0x0];
	s30 =	spop (v2sf)  }
0x50: {  	(v2sf) =	vpush v21, $0xC;
	v28 =	vadd.s16 v28, v25;
	v30 =	vld [tilespmem:s30+$0x0];
	s31 =	spop (v2sf)  }
0x51: {  	s16 =	simm.s32 $0x40;
	v22 =	vand.u32 v22, v31;
	(v2sf) =	vpush v18, $0xC;
	v21 =	vand.u32 v20, v32;
	v25 =	vld [tilespmem:s31+$0x0];
	s15 =	spop (v2sf)  }
.LBB2_5:
0x52: {  	s14 =	smov.u32 s16  }
0x53: {  	s17 =	sshra.s32 s16, $0x2;
	v31 =	vld [tilespmem:s15+$0x0];
	s15 =	spop (v2sf);
	s14 =	sadd.s32 $0x40, s16  }
0x54: {  	p0 =	sne.s32 s16, $0xC00;
	v33 =	vand.u32 v24, v26;
	v32 =	vld.idx.msk [tilespmem:v12+s17+$0xFFFFFCF0 ss:$0x1], $0xffff;
	(v2sf) =	vpush v18, $0xD  }
0x55: {  	v24 =	vand.u32 v24, v29;
	v34 =	vld.idx.msk [tilespmem:v12+s17+$0x0 ss:$0x1], $0xffff;
	s16 =	spop (v2sf)  }
0x56: {  	v29 =	vand.u32 v23, v30;
	v30 =	vld [tilespmem:s16+$0x0];
	(v2sf) =	vpush v18, $0x0;
	s16 =	spop (v2sf)  }
0x57: {  	v23 =	vand.u32 v23, v25;
	v26 =	vld [tilespmem:s16+$0x0];
	(v2sf) =	vpush v18, $0x1;
	s16 =	spop (v2sf)  }
0x58: {  	v25 =	vand.u32 v13, v31;
	v31 =	vld [tilespmem:s16+$0x0];
	s16 =	spop (v2sf);
	(v2sf) =	vpush v18, $0xE  }
0x59: {  	v20 =	vand.u32 v20, v27;
	v35 =	vld [tilespmem:s16+$0x0];
	s16 =	spop (v2sf);
	(v2sf) =	vpush v18, $0xF  }
0x5a: {  	v20 =	vadd.s16 v20, v28;
	v18 =	vmul.f32 $9.960937500e-01, v32;
	v27 =	vld [tilespmem:s16+$0x0];
	s16 =	spop (v2sf)  }
0x5b: {  	v20 =	vadd.s16 v33, v20;
	v28 =	vmul.f32 $9.960937500e-01, v34;
	v30 =	vand.u32 v13, v30;
	v32 =	vld [tilespmem:s16+$0x0];
	s16 =	spop (v2sf)  }
0x5c: {  	v13 =	vadd.f32 $8.388608000e+06, v18;
	v18 =	vadd.s16 v29, v20;
	v20 =	vld [tilespmem:s16+$0x0];
	s16 =	spop (v2sf)  }
0x5d: {  	v28 =	vadd.f32 $8.388608000e+06, v28;
	v18 =	vadd.s16 v25, v18;
	v25 =	vand.u32 v10, v31;
	v29 =	vld [tilespmem:s16+$0x0];
	s16 =	spop (v2sf)  }
0x5e: {  	v13 =	vadd.f32 $-8.388608000e+06, v13;
	v18 =	vadd.s16 v25, v18;
	v25 =	vand.u32 v11, v35;
	v31 =	vld [tilespmem:s16+$0x0];
	s16 =	spop (v2sf)  }
0x5f: {  	v28 =	vadd.f32 $-8.388608000e+06, v28;
	v18 =	vadd.s16 v25, v18;
	v33 =	vld [tilespmem:s16+$0x0];
	s16 =	spop (v2sf)  }
0x60: {  	v13 =	vmax.f32 v13, $0.0e+00;
	v25 =	vld [tilespmem:s16+$0x0];
	s16 =	spop (v2sf)  }
0x61: {  	v13 =	vmin.f32 v13, $2.550000000e+02;
	v28 =	vmax.f32 v28, $0.0e+00;
	v20 =	vand.u32 v9, v20;
	v34 =	vld [tilespmem:s16+$0x0];
	s16 =	spop (v2sf)  }
0x62: {  	v13 =	vtrunc.f32 v13;
	v28 =	vmin.f32 v28, $2.550000000e+02;
	v18 =	vadd.s16 v20, v18;
	v35 =	vld [tilespmem:s16+$0x0]  }
0x63: {  	v13 =	vcvt.f32.s32 v13;
	v20 =	vtrunc.f32 v28;
	v28 =	vand.u32 v8, v29;
	v29 =	vld [tilespmem:s15+$0x0];
	s15 =	spop (v2sf)  }
0x64: {  	s13 =	sadd.s32 $0x100, s13;
	v20 =	vcvt.f32.s32 v20;
	v18 =	vadd.s16 v28, v18;
	v28 =	vld [tilespmem:s15+$0x0]  }
0x65: {  	v17 =	vand.u32 v4, v17;
	v36 =	vadd.s32 $0x310, v13;
	v13 =	vld [tilespmem:s13+$0xFFFFFFE0];
	v25 =	vand.u32 v7, v25;
	s15 =	spop (v2sf)  }
0x66: {  	v20 =	vadd.s32 $0x310, v20;
	v36 =	vshll.u32 v36, $0x6;
	v37 =	vld [tilespmem:s15+$0x0];
	v38 =	vadd.s16 v25, v18;
	s15 =	spop (v2sf)  }
0x67: {  	v18 =	vshra.s32 v36, $0x2;
	v20 =	vshll.u32 v20, $0x6;
	v34 =	vand.u32 v6, v34;
	v36 =	vld [tilespmem:s15+$0x0];
	s15 =	spop (v2sf)  }
0x68: {  	v25 =	vadd.s32 $0xC400, v18;
	v18 =	vshra.s32 v20, $0x2;
	v20 =	vand.u32 v5, v29;
	v29 =	vld [tilespmem:s15+$0x0];
	s15 =	spop (v2sf)  }
0x69: {  	v34 =	vadd.s16 v34, v38;
	v18 =	vadd.s32 $0xC400, v18;
	(v2sf) =	vpush v25, $0xF;
	v38 =	vld [tilespmem:s15+$0x0]  }
0x6a: {  	v15 =	vand.u32 v3, v15;
	v20 =	vadd.s16 v20, v34;
	v39 =	vld [tilespmem:s13+$0x60];
	(v2sf) =	vpush v25, $0x0  }
0x6b: {  	v15 =	vadd.s16 v15, v20;
	v34 =	vld [tilespmem:s13+$0x50];
	(v2sf) =	vpush v25, $0xE;
	v16 =	vand.u32 v16, v37  }
0x6c: {  	v40 =	vadd.s16 v17, v15;
	v37 =	vld [tilespmem:s13+$0x70];
	(v2sf) =	vpush v25, $0x1;
	v16 =	vadd.s16 v19, v16  }
0x6d: {  	v14 =	vand.u32 v14, v36;
	v15 =	vld [tilespmem:s13+$0x40];
	(v2sf) =	vpush v25, $0x2  }
0x6e: {  	v14 =	vadd.s16 v14, v16;
	v17 =	vld [tilespmem:s13+$0x30];
	(v2sf) =	vpush v18, $0x2  }
0x6f: {  	v14 =	vadd.s16 v22, v14;
	v16 =	vld [tilespmem:s13+$0x20];
	(v2sf) =	vpush v18, $0x3  }
0x70: {  	v14 =	vadd.s16 v21, v14;
	v19 =	vld [tilespmem:s13+$0x10];
	(v2sf) =	vpush v25, $0x3  }
0x71: {  	v14 =	vadd.s16 v24, v14;
	v21 =	vld [tilespmem:s13+$0x0];
	(v2sf) =	vpush v25, $0x4  }
0x72: {  	v22 =	vand.u32 v10, v26;
	v14 =	vadd.s16 v23, v14;
	(v2sf) =	vpush v18, $0x4;
	v10 =	vld [tilespmem:s13+$0xFFFFFFF0]  }
0x73: {  	v11 =	vand.u32 v11, v27;
	v14 =	vadd.s16 v30, v14;
	v20 =	vld [tilespmem:s13+$0xFFFFFFB0];
	(v2sf) =	vpush v25, $0x5  }
0x74: {  	v14 =	vadd.s16 v22, v14;
	v22 =	vand.u32 v9, v32;
	v23 =	vld [tilespmem:s13+$0xFFFFFFD0];
	(v2sf) =	vpush v18, $0x5  }
0x75: {  	v26 =	vand.u32 v8, v31;
	v14 =	vadd.s16 v11, v14;
	v8 =	vmovc v16;
	v24 =	vld [tilespmem:s13+$0xFFFFFFC0];
	(v2sf) =	vpush v25, $0x6;
	v9 =	vmovc v19  }
0x76: {  	v16 =	vadd.s16 v22, v14;
	v19 =	vand.u32 v7, v33;
	v7 =	vmovc v17;
	v30 =	vld [tilespmem:s13+$0xFFFFFFA0];
	(v2sf) =	vpush v25, $0xD;
	v11 =	vmovc v21  }
0x77: {  	v17 =	vadd.s16 v26, v16;
	v21 =	vand.u32 v6, v35;
	v6 =	vmov v15;
	v14 =	vld [tilespmem:s13+$0xFFFFFF90]  }
0x78: {  	v15 =	vadd.s16 v19, v17;
	v19 =	vand.u32 v5, v28;
	v5 =	vmovc v34;
	v16 =	vld [tilespmem:s13+$0xFFFFFF80];
	(v2sf) =	vpush v18, $0x6;
	s15 =	spop (v2sf)  }
0x79: {  	v15 =	vadd.s16 v21, v15;
	v17 =	vld [tilespmem:s15+$0x0];
	s15 =	spop (v2sf);
	(v2sf) =	vpush v18, $0x7  }
0x7a: {  	v22 =	vand.u32 v3, v29;
	v3 =	vmovc v39;
	v19 =	vadd.s16 v19, v15;
	v21 =	vld [tilespmem:s15+$0x0];
	(v2sf) =	vpush v25, $0x7;
	s15 =	spop (v2sf)  }
0x7b: {  	v19 =	vadd.s16 v22, v19;
	v22 =	vand.u32 v4, v38;
	v4 =	vmovc v37;
	v15 =	vld [tilespmem:s15+$0x0];
	s15 =	spop (v2sf);
	(v2sf) =	vpush v25, $0x8  }
0x7c: {  	v19 =	vadd.s16 v22, v19;
	v26 =	vld [tilespmem:s15+$0x0];
	s15 =	spop (v2sf);
	(v2sf) =	vpush v18, $0x8  }
0x7d: {  	v22 =	vld [tilespmem:s15+$0x0];
	s15 =	spop (v2sf);
	(v2sf) =	vpush v18, $0x9  }
0x7e: {  	v31 =	vld [tilespmem:s15+$0x0];
	s15 =	spop (v2sf);
	(v2sf) =	vpush v25, $0x9  }
0x7f: {  	v32 =	vld [tilespmem:s15+$0x0];
	s15 =	spop (v2sf);
	(v2sf) =	vpush v25, $0xA  }
.Ltmp1:
0x80: {  	v21 =	vand.u32 v16, v21;
	v27 =	vld [tilespmem:s15+$0x0];
	s15 =	spop (v2sf);
	(v2sf) =	vpush v18, $0xA;
	(pc) =	sbr.rel @p0 .LBB2_5-.Ltmp1, $4  }
0x81: {  	v21 =	vadd.s16 v40, v21;
	v28 =	vand.u32 v14, v26;
	v26 =	vld [tilespmem:s15+$0x0];
	s15 =	spop (v2sf);
	(v2sf) =	vpush v18, $0xB  }
0x82: {  	v21 =	vadd.s16 v28, v21;
	v22 =	vand.u32 v30, v22;
	v29 =	vld [tilespmem:s15+$0x0];
	s15 =	spop (v2sf);
	(v2sf) =	vpush v25, $0xB  }
0x83: {  	v28 =	vadd.s16 v22, v21;
	v22 =	vand.u32 v30, v31;
	v30 =	vld [tilespmem:s15+$0x0];
	s15 =	spop (v2sf);
	(v2sf) =	vpush v25, $0xC  }
0x84: {  	s16 =	smov.u32 s14;
	v21 =	vand.u32 v20, v32;
	v25 =	vld [tilespmem:s15+$0x0];
	s15 =	spop (v2sf);
	(v2sf) =	vpush v18, $0xC  }
0x85: {  	(v2sf) =	vpush v18, $0xD  }
0x86: {  	s13 =	spop (v2sf);
	(v2sf) =	vpush v18, $0x0  }
0x87: {  	s14 =	spop (v2sf);
	(v2sf) =	vpush v18, $0x1  }
0x88: {  	s16 =	spop (v2sf)  }
0x89: {  	s17 =	spop (v2sf)  }
0x8a: {  	s18 =	spop (v2sf)  }
0x8b: {  	s19 =	spop (v2sf)  }
0x8c: {  	s20 =	spop (v2sf)  }
0x8d: {  	s21 =	spop (v2sf)  }
0x8e: {  	s22 =	spop (v2sf)  }
0x8f: {  	s23 =	spop (v2sf)  }
0x90: {  	s24 =	spop (v2sf)  }
0x91: {  	v12 =	vld [tilespmem:s15+$0x0];
	s25 =	spop (v2sf)  }
0x92: {  	v41 =	vld [tilespmem:s13+$0x0];
	s29 =	spop (v2sf)  }
0x93: {  	v31 =	vld [tilespmem:s14+$0x0];
	s30 =	spop (v2sf)  }
0x94: {  	(v2sf) =	vpush v18, $0xE;
	v32 =	vld [tilespmem:s16+$0x0];
	s31 =	spop (v2sf)  }
0x95: {  	(v2sf) =	vpush v18, $0xF;
	v33 =	vld [tilespmem:s17+$0x0];
	s26 =	spop (v2sf)  }
0x96: {  	v58 =	vld [tilespmem:s26+$0x0];
	s28 =	spop (v2sf)  }
0x97: {  	v34 =	vld [tilespmem:s28+$0x0]  }
0x98: {  	v20 =	vand.u32 v20, v27;
	v35 =	vld [tilespmem:s18+$0x0]  }
0x99: {  	v17 =	vand.u32 v4, v17;
	v26 =	vand.u32 v24, v26;
	v20 =	vadd.s16 v20, v28;
	v36 =	vld [tilespmem:s19+$0x0]  }
0x9a: {  	v20 =	vadd.s16 v26, v20;
	v60 =	vand.u32 v23, v30;
	v28 =	vand.u32 v13, v31;
	v31 =	vld [tilespmem:s20+$0x0]  }
0x9b: {  	v59 =	vand.u32 v24, v29;
	v20 =	vadd.s16 v60, v20;
	v61 =	vld [tilespmem:s21+$0x0];
	v16 =	vand.u32 v16, v58  }
0x9c: {  	v12 =	vand.u32 v13, v12;
	v63 =	vld [tilespmem:s22+$0x0];
	v16 =	vadd.s16 v19, v16;
	v14 =	vand.u32 v14, v34  }
0x9d: {  	v62 =	vand.u32 v23, v25;
	v12 =	vadd.s16 v12, v20;
	v37 =	vld [tilespmem:s23+$0x0];
	v14 =	vadd.s16 v14, v16  }
0x9e: {  	v51 =	vand.u32 v5, v41;
	v45 =	vand.u32 v10, v32;
	v43 =	vld [tilespmem:s24+$0x0];
	v14 =	vadd.s16 v22, v14  }
0x9f: {  	v38 =	vand.u32 v11, v35;
	v47 =	vand.u32 v11, v36;
	v30 =	vld [tilespmem:s25+$0x0];
	v14 =	vadd.s16 v21, v14  }
0xa0: {  	v50 =	vand.u32 v9, v31;
	v39 =	vld [tilespmem:s29+$0x0];
	v40 =	vand.u32 v9, v61;
	v14 =	vadd.s16 v59, v14  }
0xa1: {  	v42 =	vand.u32 v8, v63;
	v44 =	vld [tilespmem:s30+$0x0];
	v34 =	vand.u32 v10, v33;
	v14 =	vadd.s16 v62, v14  }
0xa2: {  	v53 =	vand.u32 v8, v37;
	v12 =	vadd.s16 v34, v12;
	v13 =	vadd.s16 v28, v14  }
0xa3: {  	v46 =	vld [tilespmem:s31+$0x0];
	v55 =	vand.u32 v7, v43;
	s29 =	spop (v2sf);
	v12 =	vadd.s16 v38, v12;
	v10 =	vadd.s16 v45, v13  }
0xa4: {  	v18 =	vand.u32 v7, v30;
	v49 =	vld [tilespmem:s29+$0x0];
	s30 =	spop (v2sf);
	v12 =	vadd.s16 v40, v12;
	v10 =	vadd.s16 v47, v10  }
0xa5: {  	v48 =	vand.u32 v6, v39;
	v52 =	vld [tilespmem:s30+$0x0];
	v12 =	vadd.s16 v42, v12;
	v9 =	vadd.s16 v50, v10  }
0xa6: {  	v57 =	vand.u32 v6, v44;
	v12 =	vadd.s16 v18, v12;
	v8 =	vadd.s16 v53, v9  }
0xa7: {  	v58 =	vand.u32 v3, v15;
	v54 =	vadd.s16 v48, v12;
	v7 =	vadd.s16 v55, v8  }
0xa8: {  	v59 =	vand.u32 v5, v46;
	v56 =	vadd.s16 v51, v54;
	v6 =	vadd.s16 v57, v7  }
0xa9: {  	v3 =	vand.u32 v3, v49;
	v60 =	vadd.s16 v58, v56;
	v5 =	vadd.s16 v59, v6  }
0xaa: {  	s31 =	sshll.u32 s12, $0x5;
	s12 =	sadd.s32 $0x1, s12;
	v62 =	vand.u32 v4, v52;
	v61 =	vadd.s16 v17, v60;
	v3 =	vadd.s16 v3, v5  }
0xab: {  	p0 =	sne.s32 s12, $0x20;
	v63 =	vadd.s16 v61, v61;
	v3 =	vadd.s16 v62, v3  }
.Ltmp2:
0xac: {  	v4 =	vsub.s16 v2, v63;
	v3 =	vadd.s16 v3, v3;
	(pc) =	sbr.rel @p0 .LBB2_4-.Ltmp2, $4  }
0xad: {  	vm0 =	vlt.s16 v4, $0xFFFFFFFF;
	v3 =	vsub.s16 v2, v3  }
0xae: {  	s13 =	sand.u32 $0x3FFFFFE0, s31;
	v4 =	vsel vm0, v0, v1;
	vm15 =	vlt.s16 v3, $0xFFFFFFFF  }
0xaf: {  	[tilespmem:s13+$0x10500] =	vst v4;
	v3 =	vsel vm15, v0, v1  }
0xb0: {  	s11 =	sadd.s32 $0x620, s11;
	[tilespmem:s13+$0x10510] =	vst v3  }
0xb1: {  	s10 =	sadd.s32 $0x1, s10  }
0xb2: {  	p0 =	sne.s32 s10, s6  }
.Ltmp3:
0xb3: {  	_ = 	snop;
	(pc) =	sbr.rel @p0 .LBB2_1-.Ltmp3, $4  }
0xb4: {  	[hbm4b:s5+s3] =	stream.linear.scatter [tilespmem:s9], [sflag:$0x1], $0x400, $0x38;
	[tilespmem:$0x10900] =	vst v63  }
0xb5: {  	_ =	swait.ge [sflag:s7], $0x400  }
0xb6: {  	[sflag:s7] =	ssyncset.done $0x0  }
0xb7: {  	[sflag:s7] =	ssyncadd.s32 $0xFFFFFC00  }
0xb8: {  	_ =	sfence.sel $0x180000  }
0xb9: {  	[bflag:$0x0] =	sbarrier.arrive $0xFFFF  }
0xba: {  	p0 =	sne.s32 s0, $0x0;
	_ =	strace $0x90000047  }
0xbb: {  	s0 =	sadd.s32 @!p0 $0x100000, s1;
	[bflag:$0x2] =	sbarrier.arrive $0xFFFF  }
0xbc: {  	[sflag:s0] =	ssyncadd.tile.s32 @!p0 $0x1;
	_ =	shalt  }
.Lfunc_end2:
_tile_overlayer_lowered:
.L_overlay_start_2:
0xbd: {  	(tag) =	ssettag $0x2  }
0xbe: {  	s0 =	rddreg [dreg:$0x0];
	s2 =	stileid.u32  }
0xbf: {  	s1 =	rddreg [dreg:$0x1];
	p0 =	sne.s32 s2, $0x0  }
0xc0: {  	s3 =	rddreg [dreg:$0x2];
	[bflag:$0x3] =	sbarrier.arrive $0xFFFF;
	s2 =	simm.s32 @!p0 $0x1C01  }
0xc1: {  	[timem:s3], [sflag:s2] =	dma.local @!p0 [hbm:s0], s1  }
0xc2: {  	s0 =	simm.s32 @!p0 $0x1  }
0xc3: {  	_ =	swait.ge @!p0 [sflag:s0], s1  }
0xc4: {  	s1 =	ssub.s32 @!p0 $0x0, s1;
	[sflag:s0] =	ssyncset.done @!p0 $0x0  }
0xc5: {  	[sflag:s0] =	ssyncadd.s32 @!p0 s1  }
0xc6: {  	[bflag:$0x3] =	sbarrier.arrive $0xFFFF  }
0xc7: {  	_ =	shalt  }

</sc_bundles>
